<compile_context>
chip_gen: v7x
topology: tpu7x:2x2x1
jax: 0.10.2.dev20260603
libtpu: 0.0.44.dev20260713+nightly
codegen_flags: <defaults>
</compile_context>

<pallas_src>
import jax
import jax.numpy as jnp
from jax import lax
from jax.experimental import pallas as pl
from jax.experimental.pallas import tpu as pltpu
from jax.experimental.pallas import tpu_sc as plsc

DIM = 64
SEQS = 4096
SEQ_LEN = 200
NUM_WORKERS = 32
ROWS_PER_W = SEQS // NUM_WORKERS
CHUNK_SPLITS = ((0, 104), (104, 96))
G_ROWS = 4
N_GROUPS = ROWS_PER_W // G_ROWS
N_PAIRS = N_GROUPS // 2


def _emb_body(idx_hbm, tab_hbm, out_hbm, idx_v, rows0, rows1, gsem0, gsem1,
              ssem0, ssem1):
    wid = lax.axis_index("s") * 2 + lax.axis_index("c")
    row0 = wid * ROWS_PER_W
    pltpu.sync_copy(idx_hbm.at[pl.ds(row0, ROWS_PER_W)], idx_v)

    def fire_gathers(g, buf, sem):
        for ri in range(G_ROWS):
            for off, sz in CHUNK_SPLITS:
                pltpu.async_copy(
                    tab_hbm.at[idx_v.at[g * G_ROWS + ri, pl.ds(off, sz)]],
                    buf.at[ri, pl.ds(off, sz)], sem)

    def drain(sem):
        pltpu.make_async_copy(out_hbm.at[pl.ds(0, G_ROWS)],
                              rows0, sem).wait()

    def fire_store(g, buf, sem):
        pltpu.async_copy(buf, out_hbm.at[pl.ds(row0 + g * G_ROWS, G_ROWS)], sem)

    fire_gathers(0, rows0, gsem0)

    def pair_step(i, carry):
        g0 = 2 * i
        g1 = g0 + 1
        drain(gsem0)
        fire_store(g0, rows0, ssem0)
        @pl.when(i > 0)
        def _():
            drain(ssem1)
        fire_gathers(g1, rows1, gsem1)
        drain(gsem1)
        fire_store(g1, rows1, ssem1)
        drain(ssem0)
        @pl.when(i + 1 < N_PAIRS)
        def _():
            fire_gathers(g0 + 2, rows0, gsem0)
        return carry

    lax.fori_loop(0, N_PAIRS, pair_step, 0)
    drain(ssem1)


@jax.jit
def _embed(idx, tab):
    mesh = plsc.VectorSubcoreMesh(core_axis_name="c", subcore_axis_name="s")
    launch = pl.kernel(
        _emb_body,
        out_type=jax.ShapeDtypeStruct((SEQS, SEQ_LEN, DIM), jnp.float32),
        mesh=mesh,
        scratch_types=[
            pltpu.VMEM((ROWS_PER_W, SEQ_LEN), jnp.int32),
            pltpu.VMEM((G_ROWS, SEQ_LEN, DIM), jnp.float32),
            pltpu.VMEM((G_ROWS, SEQ_LEN, DIM), jnp.float32),
            pltpu.SemaphoreType.DMA,
            pltpu.SemaphoreType.DMA,
            pltpu.SemaphoreType.DMA,
            pltpu.SemaphoreType.DMA,
        ],
        compiler_params=pltpu.CompilerParams(use_tc_tiling_on_sc=False),
    )
    return launch(idx, tab)


def kernel(raw_trg_seq, dst_word_emb):
    return _embed(raw_trg_seq, dst_word_emb)

# --- scband reference (transcript-rebuilt; emitter-appended) ---
"""Pipeline reference for scband-trg-embedding-70171175682591 (READ-ONLY COPY).

The authoritative reference and input builder live on the scoring server;
editing this copy changes nothing except your own understanding.
"""

import jax, jax.numpy as jnp
import numpy as np

VOCAB = 1000000
DIM = 64
PAD_IDX = 0
SCALE_EMB = False


def setup_inputs(seed: int = 0) -> dict:
    key = jax.random.key(seed)
    k_idx, k_tab = jax.random.split(key)
    raw_trg_seq = jax.random.randint(k_idx, (4096, 200), 0, VOCAB, dtype=jnp.int32)
    # learned embedding table; padding row zeroed like nn.Embedding(padding_idx=PAD_IDX)
    dst_word_emb = jax.random.normal(k_tab, (VOCAB, DIM), dtype=jnp.float32) * 0.02
    dst_word_emb = dst_word_emb.at[PAD_IDX].set(0.0)
    return {"raw_trg_seq": raw_trg_seq, "dst_word_emb": dst_word_emb}


def reference(raw_trg_seq, dst_word_emb):
    # embedding lookup: gather rows of the table
    dec_output = jnp.take(dst_word_emb, raw_trg_seq, axis=0)
    if SCALE_EMB:
        dec_output = dec_output * (DIM ** 0.5)
    return dec_output

if __name__ == "__main__":
    import jax
    _d = setup_inputs()
    print(jax.jit(kernel)(*tuple(_d.values())))

</pallas_src>

<mosaic_0001>
#map = affine_map<(d0, d1) -> (0, 0)>
#map1 = affine_map<(d0, d1) -> (0, 0, 0)>
module attributes {stable_mosaic.version = 14 : i64} {
  func.func @_emb_body(%arg0: i32, %arg1: i32, %arg2: memref<4096x200xi32, #tpu.memory_space<hbm>>, %arg3: memref<1000000x64xf32, #tpu.memory_space<hbm>>, %arg4: memref<4096x200x64xf32, #tpu.memory_space<hbm>>, %arg5: memref<128x200xi32, #tpu.memory_space<vmem>>, %arg6: memref<4x200x64xf32, #tpu.memory_space<vmem>>, %arg7: memref<4x200x64xf32, #tpu.memory_space<vmem>>, %arg8: memref<!tpu.dma_semaphore, #tpu.memory_space<semaphore_mem>>, %arg9: memref<!tpu.dma_semaphore, #tpu.memory_space<semaphore_mem>>, %arg10: memref<!tpu.dma_semaphore, #tpu.memory_space<semaphore_mem>>, %arg11: memref<!tpu.dma_semaphore, #tpu.memory_space<semaphore_mem>>) attributes {dimension_semantics = [#tpu.dimension_semantics<core_parallel>, #tpu.dimension_semantics<subcore_parallel>], iteration_bounds = array<i64: 2, 16>, scalar_prefetch = 0 : i64, scratch_operands = 7 : i64, tpu.core_type = #tpu.core_type<sc_vector_subcore>, window_params = [{transform_indices = #map}, {transform_indices = #map}, {transform_indices = #map1}]} {
    %mul3A = arith.constant 2 : i32
    %mul3A_0 = arith.muli %arg1, %mul3A : i32
    %add3A = arith.addi %mul3A_0, %arg0 : i32
    %mul3A_1 = arith.constant 128 : i32
    %mul3A_2 = arith.muli %add3A, %mul3A_1 : i32
    "tpu.region"() ({
      %run_scoped3A = tpu.sem_alloc : memref<!tpu.dma_semaphore, #tpu.memory_space<semaphore_mem>>
      %dma_start3A_110 = arith.constant 0 : i32
      %dma_start3A_111 = tpu.memref_slice %arg2[%mul3A_2, %dma_start3A_110] : memref<4096x200xi32, #tpu.memory_space<hbm>> -> memref<128x200xi32, #tpu.memory_space<hbm>>
      %dma_start3A_112 = arith.constant 0 : i32
      %dma_start3A_113 = tpu.memref_slice %arg2[%mul3A_2, %dma_start3A_112] : memref<4096x200xi32, #tpu.memory_space<hbm>> -> memref<128x200xi32, #tpu.memory_space<hbm>>
      tpu.enqueue_dma source(%dma_start3A_113 : memref<128x200xi32, #tpu.memory_space<hbm>>) target(%arg5 : memref<128x200xi32, #tpu.memory_space<vmem>>) target_semaphore(%run_scoped3A : memref<!tpu.dma_semaphore, #tpu.memory_space<semaphore_mem>>)
      %dma_wait3A_114 = arith.constant 0 : i32
      %dma_wait3A_115 = tpu.memref_slice %arg2[%mul3A_2, %dma_wait3A_114] : memref<4096x200xi32, #tpu.memory_space<hbm>> -> memref<128x200xi32, #tpu.memory_space<hbm>>
      %dma_wait3A_116 = arith.constant 0 : i32
      %dma_wait3A_117 = tpu.memref_slice %arg2[%mul3A_2, %dma_wait3A_116] : memref<4096x200xi32, #tpu.memory_space<hbm>> -> memref<128x200xi32, #tpu.memory_space<hbm>>
      tpu.wait_dma2 semaphore(%run_scoped3A : memref<!tpu.dma_semaphore, #tpu.memory_space<semaphore_mem>>) src(%dma_wait3A_117 : memref<128x200xi32, #tpu.memory_space<hbm>>) dst(%arg5 : memref<128x200xi32, #tpu.memory_space<vmem>>)
      tpu.yield
    }) : () -> ()
    %dma_start3A = arith.constant 0 : i32
    %dma_start3A_3 = arith.constant 0 : i32
    %dma_start3A_4 = arith.constant 0 : i32
    %dma_start3A_5 = arith.constant 0 : i32
    %dma_start3A_6 = tpu.memref_slice %arg6[%dma_start3A_3, %dma_start3A_4, %dma_start3A_5] : memref<4x200x64xf32, #tpu.memory_space<vmem>> -> memref<1x104x64xf32, #tpu.memory_space<vmem>>
    %dma_start3A_7 = tpu.memref_squeeze %dma_start3A_6 : memref<1x104x64xf32, #tpu.memory_space<vmem>> -> memref<104x64xf32, #tpu.memory_space<vmem>>
    %dma_start3A_8 = arith.constant 0 : i32
    %dma_start3A_9 = tpu.memref_slice %arg5[%dma_start3A, %dma_start3A_8] : memref<128x200xi32, #tpu.memory_space<vmem>> -> memref<1x104xi32, #tpu.memory_space<vmem>>
    %dma_start3A_10 = tpu.memref_squeeze %dma_start3A_9 : memref<1x104xi32, #tpu.memory_space<vmem>> -> memref<104xi32, #tpu.memory_space<vmem>>
    %dma_start3A_11 = arith.constant 0 : i32
    %dma_start3A_12 = arith.constant 0 : i32
    %dma_start3A_13 = tpu.memref_slice %arg3[%dma_start3A_11, %dma_start3A_12] : memref<1000000x64xf32, #tpu.memory_space<hbm>> -> memref<1000000x64xf32, #tpu.memory_space<hbm>>
    tpu.enqueue_indirect_dma source(%dma_start3A_13 : memref<1000000x64xf32, #tpu.memory_space<hbm>>) target(%dma_start3A_7 : memref<104x64xf32, #tpu.memory_space<vmem>>) offsets(%dma_start3A_10 : memref<104xi32, #tpu.memory_space<vmem>>) semaphore(%arg8 : memref<!tpu.dma_semaphore, #tpu.memory_space<semaphore_mem>>)
    %dma_start3A_14 = arith.constant 0 : i32
    %dma_start3A_15 = arith.constant 0 : i32
    %dma_start3A_16 = arith.constant 104 : i32
    %dma_start3A_17 = arith.constant 0 : i32
    %dma_start3A_18 = tpu.memref_slice %arg6[%dma_start3A_15, %dma_start3A_16, %dma_start3A_17] : memref<4x200x64xf32, #tpu.memory_space<vmem>> -> memref<1x96x64xf32, #tpu.memory_space<vmem>>
    %dma_start3A_19 = tpu.memref_squeeze %dma_start3A_18 : memref<1x96x64xf32, #tpu.memory_space<vmem>> -> memref<96x64xf32, #tpu.memory_space<vmem>>
    %dma_start3A_20 = arith.constant 104 : i32
    %dma_start3A_21 = tpu.memref_slice %arg5[%dma_start3A_14, %dma_start3A_20] : memref<128x200xi32, #tpu.memory_space<vmem>> -> memref<1x96xi32, #tpu.memory_space<vmem>>
    %dma_start3A_22 = tpu.memref_squeeze %dma_start3A_21 : memref<1x96xi32, #tpu.memory_space<vmem>> -> memref<96xi32, #tpu.memory_space<vmem>>
    %dma_start3A_23 = arith.constant 0 : i32
    %dma_start3A_24 = arith.constant 0 : i32
    %dma_start3A_25 = tpu.memref_slice %arg3[%dma_start3A_23, %dma_start3A_24] : memref<1000000x64xf32, #tpu.memory_space<hbm>> -> memref<1000000x64xf32, #tpu.memory_space<hbm>>
    tpu.enqueue_indirect_dma source(%dma_start3A_25 : memref<1000000x64xf32, #tpu.memory_space<hbm>>) target(%dma_start3A_19 : memref<96x64xf32, #tpu.memory_space<vmem>>) offsets(%dma_start3A_22 : memref<96xi32, #tpu.memory_space<vmem>>) semaphore(%arg8 : memref<!tpu.dma_semaphore, #tpu.memory_space<semaphore_mem>>)
    %dma_start3A_26 = arith.constant 1 : i32
    %dma_start3A_27 = arith.constant 1 : i32
    %dma_start3A_28 = arith.constant 0 : i32
    %dma_start3A_29 = arith.constant 0 : i32
    %dma_start3A_30 = tpu.memref_slice %arg6[%dma_start3A_27, %dma_start3A_28, %dma_start3A_29] : memref<4x200x64xf32, #tpu.memory_space<vmem>> -> memref<1x104x64xf32, #tpu.memory_space<vmem>>
    %dma_start3A_31 = tpu.memref_squeeze %dma_start3A_30 : memref<1x104x64xf32, #tpu.memory_space<vmem>> -> memref<104x64xf32, #tpu.memory_space<vmem>>
    %dma_start3A_32 = arith.constant 0 : i32
    %dma_start3A_33 = tpu.memref_slice %arg5[%dma_start3A_26, %dma_start3A_32] : memref<128x200xi32, #tpu.memory_space<vmem>> -> memref<1x104xi32, #tpu.memory_space<vmem>>
    %dma_start3A_34 = tpu.memref_squeeze %dma_start3A_33 : memref<1x104xi32, #tpu.memory_space<vmem>> -> memref<104xi32, #tpu.memory_space<vmem>>
    %dma_start3A_35 = arith.constant 0 : i32
    %dma_start3A_36 = arith.constant 0 : i32
    %dma_start3A_37 = tpu.memref_slice %arg3[%dma_start3A_35, %dma_start3A_36] : memref<1000000x64xf32, #tpu.memory_space<hbm>> -> memref<1000000x64xf32, #tpu.memory_space<hbm>>
    tpu.enqueue_indirect_dma source(%dma_start3A_37 : memref<1000000x64xf32, #tpu.memory_space<hbm>>) target(%dma_start3A_31 : memref<104x64xf32, #tpu.memory_space<vmem>>) offsets(%dma_start3A_34 : memref<104xi32, #tpu.memory_space<vmem>>) semaphore(%arg8 : memref<!tpu.dma_semaphore, #tpu.memory_space<semaphore_mem>>)
    %dma_start3A_38 = arith.constant 1 : i32
    %dma_start3A_39 = arith.constant 1 : i32
    %dma_start3A_40 = arith.constant 104 : i32
    %dma_start3A_41 = arith.constant 0 : i32
    %dma_start3A_42 = tpu.memref_slice %arg6[%dma_start3A_39, %dma_start3A_40, %dma_start3A_41] : memref<4x200x64xf32, #tpu.memory_space<vmem>> -> memref<1x96x64xf32, #tpu.memory_space<vmem>>
    %dma_start3A_43 = tpu.memref_squeeze %dma_start3A_42 : memref<1x96x64xf32, #tpu.memory_space<vmem>> -> memref<96x64xf32, #tpu.memory_space<vmem>>
    %dma_start3A_44 = arith.constant 104 : i32
    %dma_start3A_45 = tpu.memref_slice %arg5[%dma_start3A_38, %dma_start3A_44] : memref<128x200xi32, #tpu.memory_space<vmem>> -> memref<1x96xi32, #tpu.memory_space<vmem>>
    %dma_start3A_46 = tpu.memref_squeeze %dma_start3A_45 : memref<1x96xi32, #tpu.memory_space<vmem>> -> memref<96xi32, #tpu.memory_space<vmem>>
    %dma_start3A_47 = arith.constant 0 : i32
    %dma_start3A_48 = arith.constant 0 : i32
    %dma_start3A_49 = tpu.memref_slice %arg3[%dma_start3A_47, %dma_start3A_48] : memref<1000000x64xf32, #tpu.memory_space<hbm>> -> memref<1000000x64xf32, #tpu.memory_space<hbm>>
    tpu.enqueue_indirect_dma source(%dma_start3A_49 : memref<1000000x64xf32, #tpu.memory_space<hbm>>) target(%dma_start3A_43 : memref<96x64xf32, #tpu.memory_space<vmem>>) offsets(%dma_start3A_46 : memref<96xi32, #tpu.memory_space<vmem>>) semaphore(%arg8 : memref<!tpu.dma_semaphore, #tpu.memory_space<semaphore_mem>>)
    %dma_start3A_50 = arith.constant 2 : i32
    %dma_start3A_51 = arith.constant 2 : i32
    %dma_start3A_52 = arith.constant 0 : i32
    %dma_start3A_53 = arith.constant 0 : i32
    %dma_start3A_54 = tpu.memref_slice %arg6[%dma_start3A_51, %dma_start3A_52, %dma_start3A_53] : memref<4x200x64xf32, #tpu.memory_space<vmem>> -> memref<1x104x64xf32, #tpu.memory_space<vmem>>
    %dma_start3A_55 = tpu.memref_squeeze %dma_start3A_54 : memref<1x104x64xf32, #tpu.memory_space<vmem>> -> memref<104x64xf32, #tpu.memory_space<vmem>>
    %dma_start3A_56 = arith.constant 0 : i32
    %dma_start3A_57 = tpu.memref_slice %arg5[%dma_start3A_50, %dma_start3A_56] : memref<128x200xi32, #tpu.memory_space<vmem>> -> memref<1x104xi32, #tpu.memory_space<vmem>>
    %dma_start3A_58 = tpu.memref_squeeze %dma_start3A_57 : memref<1x104xi32, #tpu.memory_space<vmem>> -> memref<104xi32, #tpu.memory_space<vmem>>
    %dma_start3A_59 = arith.constant 0 : i32
    %dma_start3A_60 = arith.constant 0 : i32
    %dma_start3A_61 = tpu.memref_slice %arg3[%dma_start3A_59, %dma_start3A_60] : memref<1000000x64xf32, #tpu.memory_space<hbm>> -> memref<1000000x64xf32, #tpu.memory_space<hbm>>
    tpu.enqueue_indirect_dma source(%dma_start3A_61 : memref<1000000x64xf32, #tpu.memory_space<hbm>>) target(%dma_start3A_55 : memref<104x64xf32, #tpu.memory_space<vmem>>) offsets(%dma_start3A_58 : memref<104xi32, #tpu.memory_space<vmem>>) semaphore(%arg8 : memref<!tpu.dma_semaphore, #tpu.memory_space<semaphore_mem>>)
    %dma_start3A_62 = arith.constant 2 : i32
    %dma_start3A_63 = arith.constant 2 : i32
    %dma_start3A_64 = arith.constant 104 : i32
    %dma_start3A_65 = arith.constant 0 : i32
    %dma_start3A_66 = tpu.memref_slice %arg6[%dma_start3A_63, %dma_start3A_64, %dma_start3A_65] : memref<4x200x64xf32, #tpu.memory_space<vmem>> -> memref<1x96x64xf32, #tpu.memory_space<vmem>>
    %dma_start3A_67 = tpu.memref_squeeze %dma_start3A_66 : memref<1x96x64xf32, #tpu.memory_space<vmem>> -> memref<96x64xf32, #tpu.memory_space<vmem>>
    %dma_start3A_68 = arith.constant 104 : i32
    %dma_start3A_69 = tpu.memref_slice %arg5[%dma_start3A_62, %dma_start3A_68] : memref<128x200xi32, #tpu.memory_space<vmem>> -> memref<1x96xi32, #tpu.memory_space<vmem>>
    %dma_start3A_70 = tpu.memref_squeeze %dma_start3A_69 : memref<1x96xi32, #tpu.memory_space<vmem>> -> memref<96xi32, #tpu.memory_space<vmem>>
    %dma_start3A_71 = arith.constant 0 : i32
    %dma_start3A_72 = arith.constant 0 : i32
    %dma_start3A_73 = tpu.memref_slice %arg3[%dma_start3A_71, %dma_start3A_72] : memref<1000000x64xf32, #tpu.memory_space<hbm>> -> memref<1000000x64xf32, #tpu.memory_space<hbm>>
    tpu.enqueue_indirect_dma source(%dma_start3A_73 : memref<1000000x64xf32, #tpu.memory_space<hbm>>) target(%dma_start3A_67 : memref<96x64xf32, #tpu.memory_space<vmem>>) offsets(%dma_start3A_70 : memref<96xi32, #tpu.memory_space<vmem>>) semaphore(%arg8 : memref<!tpu.dma_semaphore, #tpu.memory_space<semaphore_mem>>)
    %dma_start3A_74 = arith.constant 3 : i32
    %dma_start3A_75 = arith.constant 3 : i32
    %dma_start3A_76 = arith.constant 0 : i32
    %dma_start3A_77 = arith.constant 0 : i32
    %dma_start3A_78 = tpu.memref_slice %arg6[%dma_start3A_75, %dma_start3A_76, %dma_start3A_77] : memref<4x200x64xf32, #tpu.memory_space<vmem>> -> memref<1x104x64xf32, #tpu.memory_space<vmem>>
    %dma_start3A_79 = tpu.memref_squeeze %dma_start3A_78 : memref<1x104x64xf32, #tpu.memory_space<vmem>> -> memref<104x64xf32, #tpu.memory_space<vmem>>
    %dma_start3A_80 = arith.constant 0 : i32
    %dma_start3A_81 = tpu.memref_slice %arg5[%dma_start3A_74, %dma_start3A_80] : memref<128x200xi32, #tpu.memory_space<vmem>> -> memref<1x104xi32, #tpu.memory_space<vmem>>
    %dma_start3A_82 = tpu.memref_squeeze %dma_start3A_81 : memref<1x104xi32, #tpu.memory_space<vmem>> -> memref<104xi32, #tpu.memory_space<vmem>>
    %dma_start3A_83 = arith.constant 0 : i32
    %dma_start3A_84 = arith.constant 0 : i32
    %dma_start3A_85 = tpu.memref_slice %arg3[%dma_start3A_83, %dma_start3A_84] : memref<1000000x64xf32, #tpu.memory_space<hbm>> -> memref<1000000x64xf32, #tpu.memory_space<hbm>>
    tpu.enqueue_indirect_dma source(%dma_start3A_85 : memref<1000000x64xf32, #tpu.memory_space<hbm>>) target(%dma_start3A_79 : memref<104x64xf32, #tpu.memory_space<vmem>>) offsets(%dma_start3A_82 : memref<104xi32, #tpu.memory_space<vmem>>) semaphore(%arg8 : memref<!tpu.dma_semaphore, #tpu.memory_space<semaphore_mem>>)
    %dma_start3A_86 = arith.constant 3 : i32
    %dma_start3A_87 = arith.constant 3 : i32
    %dma_start3A_88 = arith.constant 104 : i32
    %dma_start3A_89 = arith.constant 0 : i32
    %dma_start3A_90 = tpu.memref_slice %arg6[%dma_start3A_87, %dma_start3A_88, %dma_start3A_89] : memref<4x200x64xf32, #tpu.memory_space<vmem>> -> memref<1x96x64xf32, #tpu.memory_space<vmem>>
    %dma_start3A_91 = tpu.memref_squeeze %dma_start3A_90 : memref<1x96x64xf32, #tpu.memory_space<vmem>> -> memref<96x64xf32, #tpu.memory_space<vmem>>
    %dma_start3A_92 = arith.constant 104 : i32
    %dma_start3A_93 = tpu.memref_slice %arg5[%dma_start3A_86, %dma_start3A_92] : memref<128x200xi32, #tpu.memory_space<vmem>> -> memref<1x96xi32, #tpu.memory_space<vmem>>
    %dma_start3A_94 = tpu.memref_squeeze %dma_start3A_93 : memref<1x96xi32, #tpu.memory_space<vmem>> -> memref<96xi32, #tpu.memory_space<vmem>>
    %dma_start3A_95 = arith.constant 0 : i32
    %dma_start3A_96 = arith.constant 0 : i32
    %dma_start3A_97 = tpu.memref_slice %arg3[%dma_start3A_95, %dma_start3A_96] : memref<1000000x64xf32, #tpu.memory_space<hbm>> -> memref<1000000x64xf32, #tpu.memory_space<hbm>>
    tpu.enqueue_indirect_dma source(%dma_start3A_97 : memref<1000000x64xf32, #tpu.memory_space<hbm>>) target(%dma_start3A_91 : memref<96x64xf32, #tpu.memory_space<vmem>>) offsets(%dma_start3A_94 : memref<96xi32, #tpu.memory_space<vmem>>) semaphore(%arg8 : memref<!tpu.dma_semaphore, #tpu.memory_space<semaphore_mem>>)
    %scan3A = arith.constant 0 : i32
    %scan3A_98 = arith.constant 0 : i32
    %scan3A_99 = arith.constant 16 : i32
    %scan3A_100 = arith.addi %scan3A_98, %scan3A_99 : i32
    %scan3A_101 = arith.constant 1 : i32
    scf.for %scan3A_110 = %scan3A_98 to %scan3A_100 step %scan3A_101  : i32 {
      %mul3A_111 = arith.constant 2 : i32
      %mul3A_112 = arith.muli %mul3A_111, %scan3A_110 : i32
      %add3A_113 = arith.constant 1 : i32
      %add3A_114 = arith.addi %mul3A_112, %add3A_113 : i32
      %dma_wait3A_115 = arith.constant 0 : i32
      %dma_wait3A_116 = arith.constant 0 : i32
      %dma_wait3A_117 = arith.constant 0 : i32
      %dma_wait3A_118 = tpu.memref_slice %arg4[%dma_wait3A_115, %dma_wait3A_116, %dma_wait3A_117] : memref<4096x200x64xf32, #tpu.memory_space<hbm>> -> memref<4x200x64xf32, #tpu.memory_space<hbm>>
      %dma_wait3A_119 = arith.constant 0 : i32
      %dma_wait3A_120 = arith.constant 0 : i32
      %dma_wait3A_121 = arith.constant 0 : i32
      %dma_wait3A_122 = tpu.memref_slice %arg4[%dma_wait3A_119, %dma_wait3A_120, %dma_wait3A_121] : memref<4096x200x64xf32, #tpu.memory_space<hbm>> -> memref<4x200x64xf32, #tpu.memory_space<hbm>>
      tpu.wait_dma2 semaphore(%arg8 : memref<!tpu.dma_semaphore, #tpu.memory_space<semaphore_mem>>) src(%dma_wait3A_122 : memref<4x200x64xf32, #tpu.memory_space<hbm>>) dst(%arg6 : memref<4x200x64xf32, #tpu.memory_space<vmem>>)
      %mul3A_123 = arith.constant 4 : i32
      %mul3A_124 = arith.muli %mul3A_112, %mul3A_123 : i32
      %add3A_125 = arith.addi %mul3A_2, %mul3A_124 : i32
      %dma_start3A_126 = arith.constant 0 : i32
      %dma_start3A_127 = arith.constant 0 : i32
      %dma_start3A_128 = tpu.memref_slice %arg4[%add3A_125, %dma_start3A_126, %dma_start3A_127] : memref<4096x200x64xf32, #tpu.memory_space<hbm>> -> memref<4x200x64xf32, #tpu.memory_space<hbm>>
      %dma_start3A_129 = arith.constant 0 : i32
      %dma_start3A_130 = arith.constant 0 : i32
      %dma_start3A_131 = tpu.memref_slice %arg4[%add3A_125, %dma_start3A_129, %dma_start3A_130] : memref<4096x200x64xf32, #tpu.memory_space<hbm>> -> memref<4x200x64xf32, #tpu.memory_space<hbm>>
      tpu.enqueue_dma source(%arg6 : memref<4x200x64xf32, #tpu.memory_space<vmem>>) target(%dma_start3A_131 : memref<4x200x64xf32, #tpu.memory_space<hbm>>) target_semaphore(%arg10 : memref<!tpu.dma_semaphore, #tpu.memory_space<semaphore_mem>>)
      %gt3A = arith.constant 0 : i32
      %gt3A_132 = arith.cmpi sgt, %scan3A_110, %gt3A : i32
      %convert_element_type3A = arith.extui %gt3A_132 : i1 to i32
      %cond3A = arith.constant 0 : i32
      %cond3A_133 = arith.cmpi ne, %convert_element_type3A, %cond3A : i32
      scf.if %cond3A_133 {
        %dma_wait3A_285 = arith.constant 0 : i32
        %dma_wait3A_286 = arith.constant 0 : i32
        %dma_wait3A_287 = arith.constant 0 : i32
        %dma_wait3A_288 = tpu.memref_slice %arg4[%dma_wait3A_285, %dma_wait3A_286, %dma_wait3A_287] : memref<4096x200x64xf32, #tpu.memory_space<hbm>> -> memref<4x200x64xf32, #tpu.memory_space<hbm>>
        %dma_wait3A_289 = arith.constant 0 : i32
        %dma_wait3A_290 = arith.constant 0 : i32
        %dma_wait3A_291 = arith.constant 0 : i32
        %dma_wait3A_292 = tpu.memref_slice %arg4[%dma_wait3A_289, %dma_wait3A_290, %dma_wait3A_291] : memref<4096x200x64xf32, #tpu.memory_space<hbm>> -> memref<4x200x64xf32, #tpu.memory_space<hbm>>
        tpu.wait_dma2 semaphore(%arg11 : memref<!tpu.dma_semaphore, #tpu.memory_space<semaphore_mem>>) src(%dma_wait3A_292 : memref<4x200x64xf32, #tpu.memory_space<hbm>>) dst(%arg6 : memref<4x200x64xf32, #tpu.memory_space<vmem>>)
      } else {
      }
      %mul3A_134 = arith.constant 4 : i32
      %mul3A_135 = arith.muli %add3A_114, %mul3A_134 : i32
      %add3A_136 = arith.constant 0 : i32
      %add3A_137 = arith.addi %mul3A_135, %add3A_136 : i32
      %dma_start3A_138 = arith.constant 0 : i32
      %dma_start3A_139 = arith.constant 0 : i32
      %dma_start3A_140 = arith.constant 0 : i32
      %dma_start3A_141 = tpu.memref_slice %arg7[%dma_start3A_138, %dma_start3A_139, %dma_start3A_140] : memref<4x200x64xf32, #tpu.memory_space<vmem>> -> memref<1x104x64xf32, #tpu.memory_space<vmem>>
      %dma_start3A_142 = tpu.memref_squeeze %dma_start3A_141 : memref<1x104x64xf32, #tpu.memory_space<vmem>> -> memref<104x64xf32, #tpu.memory_space<vmem>>
      %dma_start3A_143 = arith.constant 0 : i32
      %dma_start3A_144 = tpu.memref_slice %arg5[%add3A_137, %dma_start3A_143] : memref<128x200xi32, #tpu.memory_space<vmem>> -> memref<1x104xi32, #tpu.memory_space<vmem>>
      %dma_start3A_145 = tpu.memref_squeeze %dma_start3A_144 : memref<1x104xi32, #tpu.memory_space<vmem>> -> memref<104xi32, #tpu.memory_space<vmem>>
      %dma_start3A_146 = arith.constant 0 : i32
      %dma_start3A_147 = arith.constant 0 : i32
      %dma_start3A_148 = tpu.memref_slice %arg3[%dma_start3A_146, %dma_start3A_147] : memref<1000000x64xf32, #tpu.memory_space<hbm>> -> memref<1000000x64xf32, #tpu.memory_space<hbm>>
      tpu.enqueue_indirect_dma source(%dma_start3A_148 : memref<1000000x64xf32, #tpu.memory_space<hbm>>) target(%dma_start3A_142 : memref<104x64xf32, #tpu.memory_space<vmem>>) offsets(%dma_start3A_145 : memref<104xi32, #tpu.memory_space<vmem>>) semaphore(%arg9 : memref<!tpu.dma_semaphore, #tpu.memory_space<semaphore_mem>>)
      %mul3A_149 = arith.constant 4 : i32
      %mul3A_150 = arith.muli %add3A_114, %mul3A_149 : i32
      %add3A_151 = arith.constant 0 : i32
      %add3A_152 = arith.addi %mul3A_150, %add3A_151 : i32
      %dma_start3A_153 = arith.constant 0 : i32
      %dma_start3A_154 = arith.constant 104 : i32
      %dma_start3A_155 = arith.constant 0 : i32
      %dma_start3A_156 = tpu.memref_slice %arg7[%dma_start3A_153, %dma_start3A_154, %dma_start3A_155] : memref<4x200x64xf32, #tpu.memory_space<vmem>> -> memref<1x96x64xf32, #tpu.memory_space<vmem>>
      %dma_start3A_157 = tpu.memref_squeeze %dma_start3A_156 : memref<1x96x64xf32, #tpu.memory_space<vmem>> -> memref<96x64xf32, #tpu.memory_space<vmem>>
      %dma_start3A_158 = arith.constant 104 : i32
      %dma_start3A_159 = tpu.memref_slice %arg5[%add3A_152, %dma_start3A_158] : memref<128x200xi32, #tpu.memory_space<vmem>> -> memref<1x96xi32, #tpu.memory_space<vmem>>
      %dma_start3A_160 = tpu.memref_squeeze %dma_start3A_159 : memref<1x96xi32, #tpu.memory_space<vmem>> -> memref<96xi32, #tpu.memory_space<vmem>>
      %dma_start3A_161 = arith.constant 0 : i32
      %dma_start3A_162 = arith.constant 0 : i32
      %dma_start3A_163 = tpu.memref_slice %arg3[%dma_start3A_161, %dma_start3A_162] : memref<1000000x64xf32, #tpu.memory_space<hbm>> -> memref<1000000x64xf32, #tpu.memory_space<hbm>>
      tpu.enqueue_indirect_dma source(%dma_start3A_163 : memref<1000000x64xf32, #tpu.memory_space<hbm>>) target(%dma_start3A_157 : memref<96x64xf32, #tpu.memory_space<vmem>>) offsets(%dma_start3A_160 : memref<96xi32, #tpu.memory_space<vmem>>) semaphore(%arg9 : memref<!tpu.dma_semaphore, #tpu.memory_space<semaphore_mem>>)
      %mul3A_164 = arith.constant 4 : i32
      %mul3A_165 = arith.muli %add3A_114, %mul3A_164 : i32
      %add3A_166 = arith.constant 1 : i32
      %add3A_167 = arith.addi %mul3A_165, %add3A_166 : i32
      %dma_start3A_168 = arith.constant 1 : i32
      %dma_start3A_169 = arith.constant 0 : i32
      %dma_start3A_170 = arith.constant 0 : i32
      %dma_start3A_171 = tpu.memref_slice %arg7[%dma_start3A_168, %dma_start3A_169, %dma_start3A_170] : memref<4x200x64xf32, #tpu.memory_space<vmem>> -> memref<1x104x64xf32, #tpu.memory_space<vmem>>
      %dma_start3A_172 = tpu.memref_squeeze %dma_start3A_171 : memref<1x104x64xf32, #tpu.memory_space<vmem>> -> memref<104x64xf32, #tpu.memory_space<vmem>>
      %dma_start3A_173 = arith.constant 0 : i32
      %dma_start3A_174 = tpu.memref_slice %arg5[%add3A_167, %dma_start3A_173] : memref<128x200xi32, #tpu.memory_space<vmem>> -> memref<1x104xi32, #tpu.memory_space<vmem>>
      %dma_start3A_175 = tpu.memref_squeeze %dma_start3A_174 : memref<1x104xi32, #tpu.memory_space<vmem>> -> memref<104xi32, #tpu.memory_space<vmem>>
      %dma_start3A_176 = arith.constant 0 : i32
      %dma_start3A_177 = arith.constant 0 : i32
      %dma_start3A_178 = tpu.memref_slice %arg3[%dma_start3A_176, %dma_start3A_177] : memref<1000000x64xf32, #tpu.memory_space<hbm>> -> memref<1000000x64xf32, #tpu.memory_space<hbm>>
      tpu.enqueue_indirect_dma source(%dma_start3A_178 : memref<1000000x64xf32, #tpu.memory_space<hbm>>) target(%dma_start3A_172 : memref<104x64xf32, #tpu.memory_space<vmem>>) offsets(%dma_start3A_175 : memref<104xi32, #tpu.memory_space<vmem>>) semaphore(%arg9 : memref<!tpu.dma_semaphore, #tpu.memory_space<semaphore_mem>>)
      %mul3A_179 = arith.constant 4 : i32
      %mul3A_180 = arith.muli %add3A_114, %mul3A_179 : i32
      %add3A_181 = arith.constant 1 : i32
      %add3A_182 = arith.addi %mul3A_180, %add3A_181 : i32
      %dma_start3A_183 = arith.constant 1 : i32
      %dma_start3A_184 = arith.constant 104 : i32
      %dma_start3A_185 = arith.constant 0 : i32
      %dma_start3A_186 = tpu.memref_slice %arg7[%dma_start3A_183, %dma_start3A_184, %dma_start3A_185] : memref<4x200x64xf32, #tpu.memory_space<vmem>> -> memref<1x96x64xf32, #tpu.memory_space<vmem>>
      %dma_start3A_187 = tpu.memref_squeeze %dma_start3A_186 : memref<1x96x64xf32, #tpu.memory_space<vmem>> -> memref<96x64xf32, #tpu.memory_space<vmem>>
      %dma_start3A_188 = arith.constant 104 : i32
      %dma_start3A_189 = tpu.memref_slice %arg5[%add3A_182, %dma_start3A_188] : memref<128x200xi32, #tpu.memory_space<vmem>> -> memref<1x96xi32, #tpu.memory_space<vmem>>
      %dma_start3A_190 = tpu.memref_squeeze %dma_start3A_189 : memref<1x96xi32, #tpu.memory_space<vmem>> -> memref<96xi32, #tpu.memory_space<vmem>>
      %dma_start3A_191 = arith.constant 0 : i32
      %dma_start3A_192 = arith.constant 0 : i32
      %dma_start3A_193 = tpu.memref_slice %arg3[%dma_start3A_191, %dma_start3A_192] : memref<1000000x64xf32, #tpu.memory_space<hbm>> -> memref<1000000x64xf32, #tpu.memory_space<hbm>>
      tpu.enqueue_indirect_dma source(%dma_start3A_193 : memref<1000000x64xf32, #tpu.memory_space<hbm>>) target(%dma_start3A_187 : memref<96x64xf32, #tpu.memory_space<vmem>>) offsets(%dma_start3A_190 : memref<96xi32, #tpu.memory_space<vmem>>) semaphore(%arg9 : memref<!tpu.dma_semaphore, #tpu.memory_space<semaphore_mem>>)
      %mul3A_194 = arith.constant 4 : i32
      %mul3A_195 = arith.muli %add3A_114, %mul3A_194 : i32
      %add3A_196 = arith.constant 2 : i32
      %add3A_197 = arith.addi %mul3A_195, %add3A_196 : i32
      %dma_start3A_198 = arith.constant 2 : i32
      %dma_start3A_199 = arith.constant 0 : i32
      %dma_start3A_200 = arith.constant 0 : i32
      %dma_start3A_201 = tpu.memref_slice %arg7[%dma_start3A_198, %dma_start3A_199, %dma_start3A_200] : memref<4x200x64xf32, #tpu.memory_space<vmem>> -> memref<1x104x64xf32, #tpu.memory_space<vmem>>
      %dma_start3A_202 = tpu.memref_squeeze %dma_start3A_201 : memref<1x104x64xf32, #tpu.memory_space<vmem>> -> memref<104x64xf32, #tpu.memory_space<vmem>>
      %dma_start3A_203 = arith.constant 0 : i32
      %dma_start3A_204 = tpu.memref_slice %arg5[%add3A_197, %dma_start3A_203] : memref<128x200xi32, #tpu.memory_space<vmem>> -> memref<1x104xi32, #tpu.memory_space<vmem>>
      %dma_start3A_205 = tpu.memref_squeeze %dma_start3A_204 : memref<1x104xi32, #tpu.memory_space<vmem>> -> memref<104xi32, #tpu.memory_space<vmem>>
      %dma_start3A_206 = arith.constant 0 : i32
      %dma_start3A_207 = arith.constant 0 : i32
      %dma_start3A_208 = tpu.memref_slice %arg3[%dma_start3A_206, %dma_start3A_207] : memref<1000000x64xf32, #tpu.memory_space<hbm>> -> memref<1000000x64xf32, #tpu.memory_space<hbm>>
      tpu.enqueue_indirect_dma source(%dma_start3A_208 : memref<1000000x64xf32, #tpu.memory_space<hbm>>) target(%dma_start3A_202 : memref<104x64xf32, #tpu.memory_space<vmem>>) offsets(%dma_start3A_205 : memref<104xi32, #tpu.memory_space<vmem>>) semaphore(%arg9 : memref<!tpu.dma_semaphore, #tpu.memory_space<semaphore_mem>>)
      %mul3A_209 = arith.constant 4 : i32
      %mul3A_210 = arith.muli %add3A_114, %mul3A_209 : i32
      %add3A_211 = arith.constant 2 : i32
      %add3A_212 = arith.addi %mul3A_210, %add3A_211 : i32
      %dma_start3A_213 = arith.constant 2 : i32
      %dma_start3A_214 = arith.constant 104 : i32
      %dma_start3A_215 = arith.constant 0 : i32
      %dma_start3A_216 = tpu.memref_slice %arg7[%dma_start3A_213, %dma_start3A_214, %dma_start3A_215] : memref<4x200x64xf32, #tpu.memory_space<vmem>> -> memref<1x96x64xf32, #tpu.memory_space<vmem>>
      %dma_start3A_217 = tpu.memref_squeeze %dma_start3A_216 : memref<1x96x64xf32, #tpu.memory_space<vmem>> -> memref<96x64xf32, #tpu.memory_space<vmem>>
      %dma_start3A_218 = arith.constant 104 : i32
      %dma_start3A_219 = tpu.memref_slice %arg5[%add3A_212, %dma_start3A_218] : memref<128x200xi32, #tpu.memory_space<vmem>> -> memref<1x96xi32, #tpu.memory_space<vmem>>
      %dma_start3A_220 = tpu.memref_squeeze %dma_start3A_219 : memref<1x96xi32, #tpu.memory_space<vmem>> -> memref<96xi32, #tpu.memory_space<vmem>>
      %dma_start3A_221 = arith.constant 0 : i32
      %dma_start3A_222 = arith.constant 0 : i32
      %dma_start3A_223 = tpu.memref_slice %arg3[%dma_start3A_221, %dma_start3A_222] : memref<1000000x64xf32, #tpu.memory_space<hbm>> -> memref<1000000x64xf32, #tpu.memory_space<hbm>>
      tpu.enqueue_indirect_dma source(%dma_start3A_223 : memref<1000000x64xf32, #tpu.memory_space<hbm>>) target(%dma_start3A_217 : memref<96x64xf32, #tpu.memory_space<vmem>>) offsets(%dma_start3A_220 : memref<96xi32, #tpu.memory_space<vmem>>) semaphore(%arg9 : memref<!tpu.dma_semaphore, #tpu.memory_space<semaphore_mem>>)
      %mul3A_224 = arith.constant 4 : i32
      %mul3A_225 = arith.muli %add3A_114, %mul3A_224 : i32
      %add3A_226 = arith.constant 3 : i32
      %add3A_227 = arith.addi %mul3A_225, %add3A_226 : i32
      %dma_start3A_228 = arith.constant 3 : i32
      %dma_start3A_229 = arith.constant 0 : i32
      %dma_start3A_230 = arith.constant 0 : i32
      %dma_start3A_231 = tpu.memref_slice %arg7[%dma_start3A_228, %dma_start3A_229, %dma_start3A_230] : memref<4x200x64xf32, #tpu.memory_space<vmem>> -> memref<1x104x64xf32, #tpu.memory_space<vmem>>
      %dma_start3A_232 = tpu.memref_squeeze %dma_start3A_231 : memref<1x104x64xf32, #tpu.memory_space<vmem>> -> memref<104x64xf32, #tpu.memory_space<vmem>>
      %dma_start3A_233 = arith.constant 0 : i32
      %dma_start3A_234 = tpu.memref_slice %arg5[%add3A_227, %dma_start3A_233] : memref<128x200xi32, #tpu.memory_space<vmem>> -> memref<1x104xi32, #tpu.memory_space<vmem>>
      %dma_start3A_235 = tpu.memref_squeeze %dma_start3A_234 : memref<1x104xi32, #tpu.memory_space<vmem>> -> memref<104xi32, #tpu.memory_space<vmem>>
      %dma_start3A_236 = arith.constant 0 : i32
      %dma_start3A_237 = arith.constant 0 : i32
      %dma_start3A_238 = tpu.memref_slice %arg3[%dma_start3A_236, %dma_start3A_237] : memref<1000000x64xf32, #tpu.memory_space<hbm>> -> memref<1000000x64xf32, #tpu.memory_space<hbm>>
      tpu.enqueue_indirect_dma source(%dma_start3A_238 : memref<1000000x64xf32, #tpu.memory_space<hbm>>) target(%dma_start3A_232 : memref<104x64xf32, #tpu.memory_space<vmem>>) offsets(%dma_start3A_235 : memref<104xi32, #tpu.memory_space<vmem>>) semaphore(%arg9 : memref<!tpu.dma_semaphore, #tpu.memory_space<semaphore_mem>>)
      %mul3A_239 = arith.constant 4 : i32
      %mul3A_240 = arith.muli %add3A_114, %mul3A_239 : i32
      %add3A_241 = arith.constant 3 : i32
      %add3A_242 = arith.addi %mul3A_240, %add3A_241 : i32
      %dma_start3A_243 = arith.constant 3 : i32
      %dma_start3A_244 = arith.constant 104 : i32
      %dma_start3A_245 = arith.constant 0 : i32
      %dma_start3A_246 = tpu.memref_slice %arg7[%dma_start3A_243, %dma_start3A_244, %dma_start3A_245] : memref<4x200x64xf32, #tpu.memory_space<vmem>> -> memref<1x96x64xf32, #tpu.memory_space<vmem>>
      %dma_start3A_247 = tpu.memref_squeeze %dma_start3A_246 : memref<1x96x64xf32, #tpu.memory_space<vmem>> -> memref<96x64xf32, #tpu.memory_space<vmem>>
      %dma_start3A_248 = arith.constant 104 : i32
      %dma_start3A_249 = tpu.memref_slice %arg5[%add3A_242, %dma_start3A_248] : memref<128x200xi32, #tpu.memory_space<vmem>> -> memref<1x96xi32, #tpu.memory_space<vmem>>
      %dma_start3A_250 = tpu.memref_squeeze %dma_start3A_249 : memref<1x96xi32, #tpu.memory_space<vmem>> -> memref<96xi32, #tpu.memory_space<vmem>>
      %dma_start3A_251 = arith.constant 0 : i32
      %dma_start3A_252 = arith.constant 0 : i32
      %dma_start3A_253 = tpu.memref_slice %arg3[%dma_start3A_251, %dma_start3A_252] : memref<1000000x64xf32, #tpu.memory_space<hbm>> -> memref<1000000x64xf32, #tpu.memory_space<hbm>>
      tpu.enqueue_indirect_dma source(%dma_start3A_253 : memref<1000000x64xf32, #tpu.memory_space<hbm>>) target(%dma_start3A_247 : memref<96x64xf32, #tpu.memory_space<vmem>>) offsets(%dma_start3A_250 : memref<96xi32, #tpu.memory_space<vmem>>) semaphore(%arg9 : memref<!tpu.dma_semaphore, #tpu.memory_space<semaphore_mem>>)
      %dma_wait3A_254 = arith.constant 0 : i32
      %dma_wait3A_255 = arith.constant 0 : i32
      %dma_wait3A_256 = arith.constant 0 : i32
      %dma_wait3A_257 = tpu.memref_slice %arg4[%dma_wait3A_254, %dma_wait3A_255, %dma_wait3A_256] : memref<4096x200x64xf32, #tpu.memory_space<hbm>> -> memref<4x200x64xf32, #tpu.memory_space<hbm>>
      %dma_wait3A_258 = arith.constant 0 : i32
      %dma_wait3A_259 = arith.constant 0 : i32
      %dma_wait3A_260 = arith.constant 0 : i32
      %dma_wait3A_261 = tpu.memref_slice %arg4[%dma_wait3A_258, %dma_wait3A_259, %dma_wait3A_260] : memref<4096x200x64xf32, #tpu.memory_space<hbm>> -> memref<4x200x64xf32, #tpu.memory_space<hbm>>
      tpu.wait_dma2 semaphore(%arg9 : memref<!tpu.dma_semaphore, #tpu.memory_space<semaphore_mem>>) src(%dma_wait3A_261 : memref<4x200x64xf32, #tpu.memory_space<hbm>>) dst(%arg6 : memref<4x200x64xf32, #tpu.memory_space<vmem>>)
      %mul3A_262 = arith.constant 4 : i32
      %mul3A_263 = arith.muli %add3A_114, %mul3A_262 : i32
      %add3A_264 = arith.addi %mul3A_2, %mul3A_263 : i32
      %dma_start3A_265 = arith.constant 0 : i32
      %dma_start3A_266 = arith.constant 0 : i32
      %dma_start3A_267 = tpu.memref_slice %arg4[%add3A_264, %dma_start3A_265, %dma_start3A_266] : memref<4096x200x64xf32, #tpu.memory_space<hbm>> -> memref<4x200x64xf32, #tpu.memory_space<hbm>>
      %dma_start3A_268 = arith.constant 0 : i32
      %dma_start3A_269 = arith.constant 0 : i32
      %dma_start3A_270 = tpu.memref_slice %arg4[%add3A_264, %dma_start3A_268, %dma_start3A_269] : memref<4096x200x64xf32, #tpu.memory_space<hbm>> -> memref<4x200x64xf32, #tpu.memory_space<hbm>>
      tpu.enqueue_dma source(%arg7 : memref<4x200x64xf32, #tpu.memory_space<vmem>>) target(%dma_start3A_270 : memref<4x200x64xf32, #tpu.memory_space<hbm>>) target_semaphore(%arg11 : memref<!tpu.dma_semaphore, #tpu.memory_space<semaphore_mem>>)
      %dma_wait3A_271 = arith.constant 0 : i32
      %dma_wait3A_272 = arith.constant 0 : i32
      %dma_wait3A_273 = arith.constant 0 : i32
      %dma_wait3A_274 = tpu.memref_slice %arg4[%dma_wait3A_271, %dma_wait3A_272, %dma_wait3A_273] : memref<4096x200x64xf32, #tpu.memory_space<hbm>> -> memref<4x200x64xf32, #tpu.memory_space<hbm>>
      %dma_wait3A_275 = arith.constant 0 : i32
      %dma_wait3A_276 = arith.constant 0 : i32
      %dma_wait3A_277 = arith.constant 0 : i32
      %dma_wait3A_278 = tpu.memref_slice %arg4[%dma_wait3A_275, %dma_wait3A_276, %dma_wait3A_277] : memref<4096x200x64xf32, #tpu.memory_space<hbm>> -> memref<4x200x64xf32, #tpu.memory_space<hbm>>
      tpu.wait_dma2 semaphore(%arg10 : memref<!tpu.dma_semaphore, #tpu.memory_space<semaphore_mem>>) src(%dma_wait3A_278 : memref<4x200x64xf32, #tpu.memory_space<hbm>>) dst(%arg6 : memref<4x200x64xf32, #tpu.memory_space<vmem>>)
      %add3A_279 = arith.constant 1 : i32
      %add3A_280 = arith.addi %scan3A_110, %add3A_279 : i32
      %lt3A = arith.constant 16 : i32
      %lt3A_281 = arith.cmpi slt, %add3A_280, %lt3A : i32
      %convert_element_type3A_282 = arith.extui %lt3A_281 : i1 to i32
      %cond3A_283 = arith.constant 0 : i32
      %cond3A_284 = arith.cmpi ne, %convert_element_type3A_282, %cond3A_283 : i32
      scf.if %cond3A_284 {
        %add3A_285 = arith.constant 2 : i32
        %add3A_286 = arith.addi %mul3A_112, %add3A_285 : i32
        %mul3A_287 = arith.constant 4 : i32
        %mul3A_288 = arith.muli %add3A_286, %mul3A_287 : i32
        %add3A_289 = arith.constant 0 : i32
        %add3A_290 = arith.addi %mul3A_288, %add3A_289 : i32
        %dma_start3A_291 = arith.constant 0 : i32
        %dma_start3A_292 = arith.constant 0 : i32
        %dma_start3A_293 = arith.constant 0 : i32
        %dma_start3A_294 = tpu.memref_slice %arg6[%dma_start3A_291, %dma_start3A_292, %dma_start3A_293] : memref<4x200x64xf32, #tpu.memory_space<vmem>> -> memref<1x104x64xf32, #tpu.memory_space<vmem>>
        %dma_start3A_295 = tpu.memref_squeeze %dma_start3A_294 : memref<1x104x64xf32, #tpu.memory_space<vmem>> -> memref<104x64xf32, #tpu.memory_space<vmem>>
        %dma_start3A_296 = arith.constant 0 : i32
        %dma_start3A_297 = tpu.memref_slice %arg5[%add3A_290, %dma_start3A_296] : memref<128x200xi32, #tpu.memory_space<vmem>> -> memref<1x104xi32, #tpu.memory_space<vmem>>
        %dma_start3A_298 = tpu.memref_squeeze %dma_start3A_297 : memref<1x104xi32, #tpu.memory_space<vmem>> -> memref<104xi32, #tpu.memory_space<vmem>>
        %dma_start3A_299 = arith.constant 0 : i32
        %dma_start3A_300 = arith.constant 0 : i32
        %dma_start3A_301 = tpu.memref_slice %arg3[%dma_start3A_299, %dma_start3A_300] : memref<1000000x64xf32, #tpu.memory_space<hbm>> -> memref<1000000x64xf32, #tpu.memory_space<hbm>>
        tpu.enqueue_indirect_dma source(%dma_start3A_301 : memref<1000000x64xf32, #tpu.memory_space<hbm>>) target(%dma_start3A_295 : memref<104x64xf32, #tpu.memory_space<vmem>>) offsets(%dma_start3A_298 : memref<104xi32, #tpu.memory_space<vmem>>) semaphore(%arg8 : memref<!tpu.dma_semaphore, #tpu.memory_space<semaphore_mem>>)
        %mul3A_302 = arith.constant 4 : i32
        %mul3A_303 = arith.muli %add3A_286, %mul3A_302 : i32
        %add3A_304 = arith.constant 0 : i32
        %add3A_305 = arith.addi %mul3A_303, %add3A_304 : i32
        %dma_start3A_306 = arith.constant 0 : i32
        %dma_start3A_307 = arith.constant 104 : i32
        %dma_start3A_308 = arith.constant 0 : i32
        %dma_start3A_309 = tpu.memref_slice %arg6[%dma_start3A_306, %dma_start3A_307, %dma_start3A_308] : memref<4x200x64xf32, #tpu.memory_space<vmem>> -> memref<1x96x64xf32, #tpu.memory_space<vmem>>
        %dma_start3A_310 = tpu.memref_squeeze %dma_start3A_309 : memref<1x96x64xf32, #tpu.memory_space<vmem>> -> memref<96x64xf32, #tpu.memory_space<vmem>>
        %dma_start3A_311 = arith.constant 104 : i32
        %dma_start3A_312 = tpu.memref_slice %arg5[%add3A_305, %dma_start3A_311] : memref<128x200xi32, #tpu.memory_space<vmem>> -> memref<1x96xi32, #tpu.memory_space<vmem>>
        %dma_start3A_313 = tpu.memref_squeeze %dma_start3A_312 : memref<1x96xi32, #tpu.memory_space<vmem>> -> memref<96xi32, #tpu.memory_space<vmem>>
        %dma_start3A_314 = arith.constant 0 : i32
        %dma_start3A_315 = arith.constant 0 : i32
        %dma_start3A_316 = tpu.memref_slice %arg3[%dma_start3A_314, %dma_start3A_315] : memref<1000000x64xf32, #tpu.memory_space<hbm>> -> memref<1000000x64xf32, #tpu.memory_space<hbm>>
        tpu.enqueue_indirect_dma source(%dma_start3A_316 : memref<1000000x64xf32, #tpu.memory_space<hbm>>) target(%dma_start3A_310 : memref<96x64xf32, #tpu.memory_space<vmem>>) offsets(%dma_start3A_313 : memref<96xi32, #tpu.memory_space<vmem>>) semaphore(%arg8 : memref<!tpu.dma_semaphore, #tpu.memory_space<semaphore_mem>>)
        %mul3A_317 = arith.constant 4 : i32
        %mul3A_318 = arith.muli %add3A_286, %mul3A_317 : i32
        %add3A_319 = arith.constant 1 : i32
        %add3A_320 = arith.addi %mul3A_318, %add3A_319 : i32
        %dma_start3A_321 = arith.constant 1 : i32
        %dma_start3A_322 = arith.constant 0 : i32
        %dma_start3A_323 = arith.constant 0 : i32
        %dma_start3A_324 = tpu.memref_slice %arg6[%dma_start3A_321, %dma_start3A_322, %dma_start3A_323] : memref<4x200x64xf32, #tpu.memory_space<vmem>> -> memref<1x104x64xf32, #tpu.memory_space<vmem>>
        %dma_start3A_325 = tpu.memref_squeeze %dma_start3A_324 : memref<1x104x64xf32, #tpu.memory_space<vmem>> -> memref<104x64xf32, #tpu.memory_space<vmem>>
        %dma_start3A_326 = arith.constant 0 : i32
        %dma_start3A_327 = tpu.memref_slice %arg5[%add3A_320, %dma_start3A_326] : memref<128x200xi32, #tpu.memory_space<vmem>> -> memref<1x104xi32, #tpu.memory_space<vmem>>
        %dma_start3A_328 = tpu.memref_squeeze %dma_start3A_327 : memref<1x104xi32, #tpu.memory_space<vmem>> -> memref<104xi32, #tpu.memory_space<vmem>>
        %dma_start3A_329 = arith.constant 0 : i32
        %dma_start3A_330 = arith.constant 0 : i32
        %dma_start3A_331 = tpu.memref_slice %arg3[%dma_start3A_329, %dma_start3A_330] : memref<1000000x64xf32, #tpu.memory_space<hbm>> -> memref<1000000x64xf32, #tpu.memory_space<hbm>>
        tpu.enqueue_indirect_dma source(%dma_start3A_331 : memref<1000000x64xf32, #tpu.memory_space<hbm>>) target(%dma_start3A_325 : memref<104x64xf32, #tpu.memory_space<vmem>>) offsets(%dma_start3A_328 : memref<104xi32, #tpu.memory_space<vmem>>) semaphore(%arg8 : memref<!tpu.dma_semaphore, #tpu.memory_space<semaphore_mem>>)
        %mul3A_332 = arith.constant 4 : i32
        %mul3A_333 = arith.muli %add3A_286, %mul3A_332 : i32
        %add3A_334 = arith.constant 1 : i32
        %add3A_335 = arith.addi %mul3A_333, %add3A_334 : i32
        %dma_start3A_336 = arith.constant 1 : i32
        %dma_start3A_337 = arith.constant 104 : i32
        %dma_start3A_338 = arith.constant 0 : i32
        %dma_start3A_339 = tpu.memref_slice %arg6[%dma_start3A_336, %dma_start3A_337, %dma_start3A_338] : memref<4x200x64xf32, #tpu.memory_space<vmem>> -> memref<1x96x64xf32, #tpu.memory_space<vmem>>
        %dma_start3A_340 = tpu.memref_squeeze %dma_start3A_339 : memref<1x96x64xf32, #tpu.memory_space<vmem>> -> memref<96x64xf32, #tpu.memory_space<vmem>>
        %dma_start3A_341 = arith.constant 104 : i32
        %dma_start3A_342 = tpu.memref_slice %arg5[%add3A_335, %dma_start3A_341] : memref<128x200xi32, #tpu.memory_space<vmem>> -> memref<1x96xi32, #tpu.memory_space<vmem>>
        %dma_start3A_343 = tpu.memref_squeeze %dma_start3A_342 : memref<1x96xi32, #tpu.memory_space<vmem>> -> memref<96xi32, #tpu.memory_space<vmem>>
        %dma_start3A_344 = arith.constant 0 : i32
        %dma_start3A_345 = arith.constant 0 : i32
        %dma_start3A_346 = tpu.memref_slice %arg3[%dma_start3A_344, %dma_start3A_345] : memref<1000000x64xf32, #tpu.memory_space<hbm>> -> memref<1000000x64xf32, #tpu.memory_space<hbm>>
        tpu.enqueue_indirect_dma source(%dma_start3A_346 : memref<1000000x64xf32, #tpu.memory_space<hbm>>) target(%dma_start3A_340 : memref<96x64xf32, #tpu.memory_space<vmem>>) offsets(%dma_start3A_343 : memref<96xi32, #tpu.memory_space<vmem>>) semaphore(%arg8 : memref<!tpu.dma_semaphore, #tpu.memory_space<semaphore_mem>>)
        %mul3A_347 = arith.constant 4 : i32
        %mul3A_348 = arith.muli %add3A_286, %mul3A_347 : i32
        %add3A_349 = arith.constant 2 : i32
        %add3A_350 = arith.addi %mul3A_348, %add3A_349 : i32
        %dma_start3A_351 = arith.constant 2 : i32
        %dma_start3A_352 = arith.constant 0 : i32
        %dma_start3A_353 = arith.constant 0 : i32
        %dma_start3A_354 = tpu.memref_slice %arg6[%dma_start3A_351, %dma_start3A_352, %dma_start3A_353] : memref<4x200x64xf32, #tpu.memory_space<vmem>> -> memref<1x104x64xf32, #tpu.memory_space<vmem>>
        %dma_start3A_355 = tpu.memref_squeeze %dma_start3A_354 : memref<1x104x64xf32, #tpu.memory_space<vmem>> -> memref<104x64xf32, #tpu.memory_space<vmem>>
        %dma_start3A_356 = arith.constant 0 : i32
        %dma_start3A_357 = tpu.memref_slice %arg5[%add3A_350, %dma_start3A_356] : memref<128x200xi32, #tpu.memory_space<vmem>> -> memref<1x104xi32, #tpu.memory_space<vmem>>
        %dma_start3A_358 = tpu.memref_squeeze %dma_start3A_357 : memref<1x104xi32, #tpu.memory_space<vmem>> -> memref<104xi32, #tpu.memory_space<vmem>>
        %dma_start3A_359 = arith.constant 0 : i32
        %dma_start3A_360 = arith.constant 0 : i32
        %dma_start3A_361 = tpu.memref_slice %arg3[%dma_start3A_359, %dma_start3A_360] : memref<1000000x64xf32, #tpu.memory_space<hbm>> -> memref<1000000x64xf32, #tpu.memory_space<hbm>>
        tpu.enqueue_indirect_dma source(%dma_start3A_361 : memref<1000000x64xf32, #tpu.memory_space<hbm>>) target(%dma_start3A_355 : memref<104x64xf32, #tpu.memory_space<vmem>>) offsets(%dma_start3A_358 : memref<104xi32, #tpu.memory_space<vmem>>) semaphore(%arg8 : memref<!tpu.dma_semaphore, #tpu.memory_space<semaphore_mem>>)
        %mul3A_362 = arith.constant 4 : i32
        %mul3A_363 = arith.muli %add3A_286, %mul3A_362 : i32
        %add3A_364 = arith.constant 2 : i32
        %add3A_365 = arith.addi %mul3A_363, %add3A_364 : i32
        %dma_start3A_366 = arith.constant 2 : i32
        %dma_start3A_367 = arith.constant 104 : i32
        %dma_start3A_368 = arith.constant 0 : i32
        %dma_start3A_369 = tpu.memref_slice %arg6[%dma_start3A_366, %dma_start3A_367, %dma_start3A_368] : memref<4x200x64xf32, #tpu.memory_space<vmem>> -> memref<1x96x64xf32, #tpu.memory_space<vmem>>
        %dma_start3A_370 = tpu.memref_squeeze %dma_start3A_369 : memref<1x96x64xf32, #tpu.memory_space<vmem>> -> memref<96x64xf32, #tpu.memory_space<vmem>>
        %dma_start3A_371 = arith.constant 104 : i32
        %dma_start3A_372 = tpu.memref_slice %arg5[%add3A_365, %dma_start3A_371] : memref<128x200xi32, #tpu.memory_space<vmem>> -> memref<1x96xi32, #tpu.memory_space<vmem>>
        %dma_start3A_373 = tpu.memref_squeeze %dma_start3A_372 : memref<1x96xi32, #tpu.memory_space<vmem>> -> memref<96xi32, #tpu.memory_space<vmem>>
        %dma_start3A_374 = arith.constant 0 : i32
        %dma_start3A_375 = arith.constant 0 : i32
        %dma_start3A_376 = tpu.memref_slice %arg3[%dma_start3A_374, %dma_start3A_375] : memref<1000000x64xf32, #tpu.memory_space<hbm>> -> memref<1000000x64xf32, #tpu.memory_space<hbm>>
        tpu.enqueue_indirect_dma source(%dma_start3A_376 : memref<1000000x64xf32, #tpu.memory_space<hbm>>) target(%dma_start3A_370 : memref<96x64xf32, #tpu.memory_space<vmem>>) offsets(%dma_start3A_373 : memref<96xi32, #tpu.memory_space<vmem>>) semaphore(%arg8 : memref<!tpu.dma_semaphore, #tpu.memory_space<semaphore_mem>>)
        %mul3A_377 = arith.constant 4 : i32
        %mul3A_378 = arith.muli %add3A_286, %mul3A_377 : i32
        %add3A_379 = arith.constant 3 : i32
        %add3A_380 = arith.addi %mul3A_378, %add3A_379 : i32
        %dma_start3A_381 = arith.constant 3 : i32
        %dma_start3A_382 = arith.constant 0 : i32
        %dma_start3A_383 = arith.constant 0 : i32
        %dma_start3A_384 = tpu.memref_slice %arg6[%dma_start3A_381, %dma_start3A_382, %dma_start3A_383] : memref<4x200x64xf32, #tpu.memory_space<vmem>> -> memref<1x104x64xf32, #tpu.memory_space<vmem>>
        %dma_start3A_385 = tpu.memref_squeeze %dma_start3A_384 : memref<1x104x64xf32, #tpu.memory_space<vmem>> -> memref<104x64xf32, #tpu.memory_space<vmem>>
        %dma_start3A_386 = arith.constant 0 : i32
        %dma_start3A_387 = tpu.memref_slice %arg5[%add3A_380, %dma_start3A_386] : memref<128x200xi32, #tpu.memory_space<vmem>> -> memref<1x104xi32, #tpu.memory_space<vmem>>
        %dma_start3A_388 = tpu.memref_squeeze %dma_start3A_387 : memref<1x104xi32, #tpu.memory_space<vmem>> -> memref<104xi32, #tpu.memory_space<vmem>>
        %dma_start3A_389 = arith.constant 0 : i32
        %dma_start3A_390 = arith.constant 0 : i32
        %dma_start3A_391 = tpu.memref_slice %arg3[%dma_start3A_389, %dma_start3A_390] : memref<1000000x64xf32, #tpu.memory_space<hbm>> -> memref<1000000x64xf32, #tpu.memory_space<hbm>>
        tpu.enqueue_indirect_dma source(%dma_start3A_391 : memref<1000000x64xf32, #tpu.memory_space<hbm>>) target(%dma_start3A_385 : memref<104x64xf32, #tpu.memory_space<vmem>>) offsets(%dma_start3A_388 : memref<104xi32, #tpu.memory_space<vmem>>) semaphore(%arg8 : memref<!tpu.dma_semaphore, #tpu.memory_space<semaphore_mem>>)
        %mul3A_392 = arith.constant 4 : i32
        %mul3A_393 = arith.muli %add3A_286, %mul3A_392 : i32
        %add3A_394 = arith.constant 3 : i32
        %add3A_395 = arith.addi %mul3A_393, %add3A_394 : i32
        %dma_start3A_396 = arith.constant 3 : i32
        %dma_start3A_397 = arith.constant 104 : i32
        %dma_start3A_398 = arith.constant 0 : i32
        %dma_start3A_399 = tpu.memref_slice %arg6[%dma_start3A_396, %dma_start3A_397, %dma_start3A_398] : memref<4x200x64xf32, #tpu.memory_space<vmem>> -> memref<1x96x64xf32, #tpu.memory_space<vmem>>
        %dma_start3A_400 = tpu.memref_squeeze %dma_start3A_399 : memref<1x96x64xf32, #tpu.memory_space<vmem>> -> memref<96x64xf32, #tpu.memory_space<vmem>>
        %dma_start3A_401 = arith.constant 104 : i32
        %dma_start3A_402 = tpu.memref_slice %arg5[%add3A_395, %dma_start3A_401] : memref<128x200xi32, #tpu.memory_space<vmem>> -> memref<1x96xi32, #tpu.memory_space<vmem>>
        %dma_start3A_403 = tpu.memref_squeeze %dma_start3A_402 : memref<1x96xi32, #tpu.memory_space<vmem>> -> memref<96xi32, #tpu.memory_space<vmem>>
        %dma_start3A_404 = arith.constant 0 : i32
        %dma_start3A_405 = arith.constant 0 : i32
        %dma_start3A_406 = tpu.memref_slice %arg3[%dma_start3A_404, %dma_start3A_405] : memref<1000000x64xf32, #tpu.memory_space<hbm>> -> memref<1000000x64xf32, #tpu.memory_space<hbm>>
        tpu.enqueue_indirect_dma source(%dma_start3A_406 : memref<1000000x64xf32, #tpu.memory_space<hbm>>) target(%dma_start3A_400 : memref<96x64xf32, #tpu.memory_space<vmem>>) offsets(%dma_start3A_403 : memref<96xi32, #tpu.memory_space<vmem>>) semaphore(%arg8 : memref<!tpu.dma_semaphore, #tpu.memory_space<semaphore_mem>>)
      } else {
      }
    }
    %scan3A_102 = arith.constant 16 : i32
    %dma_wait3A = arith.constant 0 : i32
    %dma_wait3A_103 = arith.constant 0 : i32
    %dma_wait3A_104 = arith.constant 0 : i32
    %dma_wait3A_105 = tpu.memref_slice %arg4[%dma_wait3A, %dma_wait3A_103, %dma_wait3A_104] : memref<4096x200x64xf32, #tpu.memory_space<hbm>> -> memref<4x200x64xf32, #tpu.memory_space<hbm>>
    %dma_wait3A_106 = arith.constant 0 : i32
    %dma_wait3A_107 = arith.constant 0 : i32
    %dma_wait3A_108 = arith.constant 0 : i32
    %dma_wait3A_109 = tpu.memref_slice %arg4[%dma_wait3A_106, %dma_wait3A_107, %dma_wait3A_108] : memref<4096x200x64xf32, #tpu.memory_space<hbm>> -> memref<4x200x64xf32, #tpu.memory_space<hbm>>
    tpu.wait_dma2 semaphore(%arg11 : memref<!tpu.dma_semaphore, #tpu.memory_space<semaphore_mem>>) src(%dma_wait3A_109 : memref<4x200x64xf32, #tpu.memory_space<hbm>>) dst(%arg6 : memref<4x200x64xf32, #tpu.memory_space<vmem>>)
    return
  }
}

</mosaic_0001>

<sc_bundles>
// kernel: _embed.3.cloned.1.call-start
scs
__scs_entry_jumppad:
0x0: {  	(pc) =	sbr.rel $0x88, $3  }
0x1: {  	(tag) =	ssettag $0x0;
	lr =	simm.s32 $0x1  }
0x2: {  	[smem:$0x3F9F] =	sst lr;
	_ =	strace $0xD0000000  }
0x3: {  	_ = 	snop  }
0x4: {  	_ = 	snop  }
0x5: {  	_ = 	snop  }
0x6: {  	_ = 	snop  }
0x7: {  	_ = 	snop  }
__scs_overlays_trampoline_lowered:
0x8: {  	[smem:$0x3FAE] =	sst s0  }
0x9: {  	[smem:$0x3FAF] =	sst s1  }
0xa: {  	[smem:$0x3FB0] =	sst s2  }
0xb: {  	[smem:$0x3FB1] =	sst s3  }
0xc: {  	[smem:$0x3FB2] =	sst s4  }
0xd: {  	[smem:$0x3FB3] =	sst s5  }
0xe: {  	[smem:$0x3FB4] =	sst s6  }
0xf: {  	[smem:$0x3FB5] =	sst s7  }
0x10: {  	[smem:$0x3FB6] =	sst s8  }
0x11: {  	[smem:$0x3FB7] =	sst s9;
	s0 =	simm.s32 @!p0 $0x0  }
0x12: {  	s1 =	sld [smem:$0x3F9D];
	s0 =	simm.s32 @p0 $0x1  }
0x13: {  	[smem:$0x3FB8] =	sst s0;
	s0 =	simm.s32 @!p1 $0x0  }
0x14: {  	s2 =	sld [smem:$0x3F9C];
	s0 =	simm.s32 @p1 $0x1  }
0x15: {  	[smem:$0x3FB9] =	sst s0;
	s0 =	simm.s32 @!p2 $0x0  }
0x16: {  	s3 =	sld [smem:$0x3FDB];
	s0 =	simm.s32 @p2 $0x1  }
0x17: {  	s4 =	simm.s32 $0x1BF5;
	[smem:$0x3FBB] =	sst s0  }
0x18: {  	s0 =	sld [smem:$0x3F9E];
	_ =	swait.ge [sflag:s4], $0x0  }
0x19: {  	s7 =	sld [smem:$0x3F9F]  }
0x1a: {  	s8 =	sadd.s32 $0xFFFFE003, lr  }
0x1b: {  	s9 =	sadd.s32 $0xFFFFFEF7, lr;
	s5 =	simm.s32 $0xFFFFFFFF;
	p2 =	slt.u32 s8, $0xFFFFF086  }
0x1c: {  	p1 =	slt.u32 s9, $0xF7A;
	s5 =	simm.s32 @!p2 $0x0  }
0x1d: {  	s5 =	simm.s32 @p1 $0x1;
	p0 =	seq.s32 s7, s2  }
0x1e: {  	s7 =	smul.u32 @!p0 $0xF7A, s2;
	p2 =	seq.s32 @!p0 s5, $0x0  }
0x1f: {  	s9 =	smul.u32 $0xF7A, s1;
	s8 =	simm.s32 @!p0 $0x1BF5;
	p2 =	por !p2, p0  }
0x20: {  	[sflag:s8] =	ssyncset.s32 @!p0 $0xFFFFF086;
	s6 =	sadd.s32 @!p0 s3, s7;
	s7 =	simm.s32 @!p0 $0x108  }
0x21: {  	s3 =	sadd.s32 s3, s9;
	s6 =	sadd.s32 @!p0 $0x88, s6;
	s7 =	simm.s32 @p2 $0x1082  }
0x22: {  	[simem:s7], [sflag:s8] =	dma.local @!p0 [hbm:s6], $0xF7A  }
0x23: {  	s9 =	sor.u32 $0xD0000000, s2;
	s6 =	simm.s32 $0x108;
	_ =	swait.ge @!p0 [sflag:s8], $0x0  }
0x24: {  	s3 =	sadd.s32 $0x88, s3;
	s6 =	simm.s32 @!p1 $0x1082;
	[sflag:s4] =	ssyncset.s32 $0xFFFFF086  }
0x25: {  	[simem:s6], [sflag:s4] =	dma.local [hbm:s3], $0xF7A  }
0x26: {  	[smem:$0x3F9F] =	sst s1;
	(tag) =	ssettag s2;
	_ =	strace s9  }
0x27: {  	s1 =	sld [smem:$0x3FAF]  }
0x28: {  	s2 =	sld [smem:$0x3FB0]  }
0x29: {  	s4 =	sld [smem:$0x3FB2]  }
0x2a: {  	p0 =	seq.s32 s5, $0x0;
	s5 =	sld [smem:$0x3FB3]  }
0x2b: {  	s6 =	sld [smem:$0x3FB4]  }
0x2c: {  	s7 =	sld [smem:$0x3FB5]  }
0x2d: {  	s3 =	simm.s32 $0x108;
	s8 =	sld [smem:$0x3FB6]  }
0x2e: {  	s3 =	simm.s32 @!p0 $0x1082;
	s9 =	sld [smem:$0x3FB7]  }
0x2f: {  	lr =	sadd.s32 s0, s3;
	s0 =	sld [smem:$0x3FAE]  }
0x30: {  	s3 =	sld [smem:$0x3FB1]  }
0x31: {  	[smem:$0x3FBA] =	sst s10  }
0x32: {  	s10 =	sld [smem:$0x3FB8];
	_ =	sdelay $0x3  }
0x33: {  	p0 =	seq.s32 s10, $0x1;
	s10 =	sld [smem:$0x3FBA];
	_ =	sdelay $0x3  }
0x34: {  	[smem:$0x3FBA] =	sst s10  }
0x35: {  	s10 =	sld [smem:$0x3FB9];
	_ =	sdelay $0x3  }
0x36: {  	p1 =	seq.s32 s10, $0x1;
	s10 =	sld [smem:$0x3FBA];
	_ =	sdelay $0x3  }
0x37: {  	[smem:$0x3FBA] =	sst s10  }
0x38: {  	s10 =	sld [smem:$0x3FBB]  }
0x39: {  	_ = 	snop;
	(pc) =	sbr.ind lr, $3  }
0x3a: {  	_ = 	snop  }
0x3b: {  	_ = 	snop  }
0x3c: {  	p2 =	seq.s32 s10, $0x1;
	s10 =	sld [smem:$0x3FBA]  }
0x3d: {  	_ =	shalt  }
0x3e: {  	_ =	shalt  }
0x3f: {  	_ =	shalt  }
0x40: {  	_ =	shalt  }
0x41: {  	_ =	shalt  }
0x42: {  	_ =	shalt  }
0x43: {  	_ =	shalt  }
0x44: {  	_ =	shalt  }
0x45: {  	_ =	shalt  }
0x46: {  	_ =	shalt  }
0x47: {  	_ =	shalt  }
0x48: {  	_ =	shalt  }
0x49: {  	_ =	shalt  }
0x4a: {  	_ =	shalt  }
0x4b: {  	_ =	shalt  }
0x4c: {  	_ =	shalt  }
0x4d: {  	_ =	shalt  }
0x4e: {  	_ =	shalt  }
0x4f: {  	_ =	shalt  }
0x50: {  	_ =	shalt  }
0x51: {  	_ =	shalt  }
0x52: {  	_ =	shalt  }
0x53: {  	_ =	shalt  }
0x54: {  	_ =	shalt  }
0x55: {  	_ =	shalt  }
0x56: {  	_ =	shalt  }
0x57: {  	_ =	shalt  }
0x58: {  	_ =	shalt  }
0x59: {  	_ =	shalt  }
0x5a: {  	_ =	shalt  }
0x5b: {  	_ =	shalt  }
0x5c: {  	_ =	shalt  }
0x5d: {  	_ =	shalt  }
0x5e: {  	_ =	shalt  }
0x5f: {  	_ =	shalt  }
0x60: {  	_ =	shalt  }
0x61: {  	_ =	shalt  }
0x62: {  	_ =	shalt  }
0x63: {  	_ =	shalt  }
0x64: {  	_ =	shalt  }
0x65: {  	_ =	shalt  }
0x66: {  	_ =	shalt  }
0x67: {  	_ =	shalt  }
0x68: {  	_ =	shalt  }
0x69: {  	_ =	shalt  }
0x6a: {  	_ =	shalt  }
0x6b: {  	_ =	shalt  }
0x6c: {  	_ =	shalt  }
0x6d: {  	_ =	shalt  }
0x6e: {  	_ =	shalt  }
0x6f: {  	_ =	shalt  }
0x70: {  	_ =	shalt  }
0x71: {  	_ =	shalt  }
0x72: {  	_ =	shalt  }
0x73: {  	_ =	shalt  }
0x74: {  	_ =	shalt  }
0x75: {  	_ =	shalt  }
0x76: {  	_ =	shalt  }
0x77: {  	_ =	shalt  }
0x78: {  	_ =	shalt  }
0x79: {  	_ =	shalt  }
0x7a: {  	_ =	shalt  }
0x7b: {  	_ =	shalt  }
0x7c: {  	_ =	shalt  }
0x7d: {  	_ =	shalt  }
0x7e: {  	_ =	shalt  }
0x7f: {  	_ =	shalt  }
0x80: {  	_ =	shalt  }
0x81: {  	_ =	shalt  }
0x82: {  	_ =	shalt  }
0x83: {  	_ =	shalt  }
0x84: {  	_ =	shalt  }
0x85: {  	_ =	shalt  }
0x86: {  	_ =	shalt  }
0x87: {  	_ =	shalt  }
.Lfunc_end0:
.L_simem_size_0:
called_computation.1_lowered:
.L_overlay_start_0:
0x88: {  	s2 =	sld [smem:$0x3FD9]  }
0x89: {  	s3 =	sld [smem:$0x3FFE];
	_ =	sdelay $0x1  }
0x8a: {  	s1 =	srdreg.scid  }
0x8b: {  	s0 =	sand.u32 $0x1, s1  }
0x8c: {  	s17 =	sshll.u32 s0, $0xA;
	s2 =	sadd.s32 s3, s2  }
0x8d: {  	s2 =	sadd.s32 s2, s17  }
0x8e: {  	[smem:$0x3FC6] =	sst s2  }
0x8f: {  	_ = 	snop  }
0x90: {  	s2 =	sld [smem:$0x3FD0];
	(tm) =	ssettm $0x1  }
0x91: {  	s18 =	sld [smem:$0x3FFB];
	_ =	sdelay $0x3  }
0x92: {  	_ =	strace s18  }
0x93: {  	s3 =	sld [smem:$0x3FFC];
	_ =	sdelay $0x3  }
0x94: {  	_ =	strace s3  }
0x95: {  	s3 =	sld [smem:$0x3FFD];
	_ =	sdelay $0x3  }
0x96: {  	_ =	strace s3  }
0x97: {  	_ =	strace $0x8FFFFFFF  }
0x98: {  	s19 =	sld [smem:$0x3FDB];
	_ =	sdelay $0x1  }
0x99: {  	s4 =	simm.s32 $_scs_section_size  }
0x9a: {  	s5 =	simm.s32 $_size__tile_overlayer_lowered;
	s6 =	simm.s32 $_tile_overlayer_lowered  }
0x9b: {  	s22 =	simm.s32 $0x1BFF;
	s21 =	sshll.u32 s6, $0x1;
	s3 =	sadd.s32 s4, s19  }
0x9c: {  	s7 =	simm.s32 $0x0;
	s20 =	sshll.u32 s5, $0x1;
	s5 =	sadd.s32 s21, s3  }
0x9d: {  	[timem:s7], [sflag:s22] =	dma.local [hbm:s5], s20  }
0x9e: {  	_ =	swait.ge [sflag:s22], s20  }
0x9f: {  	s4 =	ssub.s32 $0x0, s20;
	[sflag:s22] =	ssyncset.done $0x0  }
0xa0: {  	[sflag:s22] =	ssyncadd.s32 s4;
	_ =	sdelay $0x1  }
0xa1: {  	s23 =	simm.s32 $0x1B8B  }
0xa2: {  	_ =	swait.ge [sflag:s23], $0x1  }
0xa3: {  	[sflag:s23] =	ssyncset.done $0x0  }
0xa4: {  	s25 =	simm.s32 $0x1B8E;
	s24 =	sld [smem:$0x3FFE];
	[sflag:s23] =	ssyncadd.s32 $0xFFFFFFFF  }
0xa5: {  	s26 =	simm.s32 $execute0_lowered;
	[smem:$0x3FD2] =	sst s25  }
0xa6: {  	s5 =	sshll.u32 s26, $0x1;
	_ =	strace $0x80000046;
	[dreg:$0x1] =	wrdreg $0xFFFFFFFF  }
0xa7: {  	s28 =	simm.s32 $_size_execute0_lowered;
	s3 =	sadd.s32 s3, s5;
	[dreg:$0x0] =	wrdreg $0x0  }
0xa8: {  	s5 =	sshll.u32 s28, $0x1;
	[dreg:$0x2] =	wrdreg s3  }
0xa9: {  	[dreg:$0x3] =	wrdreg s5  }
0xaa: {  	[dreg:$0x4] =	wrdreg $0xC0  }
0xab: {  	_ =	task [dreg:s7], $0x5FFFF  }
0xac: {  	[dreg:$0x1] =	wrdreg $0xFFFFFFFF  }
0xad: {  	[dreg:$0x0] =	wrdreg $0x60  }
0xae: {  	[dreg:$0x2] =	wrdreg s24  }
0xaf: {  	[dreg:$0x3] =	wrdreg s2  }
0xb0: {  	[dreg:$0x4] =	wrdreg $0x9  }
0xb1: {  	_ =	task.clear_ibuf [dreg:s7], $0x5FFFF;
	_ =	strace $0x90000046  }
0xb2: {  	s29 =	simm.s32 $0x9;
	_ =	strace $0x80000048  }
0xb3: {  	_ =	swait.ge [sflag:s29], $0x1  }
0xb4: {  	[sflag:s29] =	ssyncadd.s32 $0xFFFFFFFF  }
0xb5: {  	_ =	strace $0x90000048  }
0xb6: {  	_ =	sfence  }
0xb7: {  	s30 =	sld [smem:$0x0];
	_ =	sdelay $0x2  }
0xb8: {  	s31 =	sshll.u32 s1, $0xD;
	s1 =	sshrl.u32 s1, $0x2  }
0xb9: {  	s3 =	sand.u32 $0x4000, s31;
	s1 =	sadd.s32 s1, s30  }
0xba: {  	s0 =	sor.u32 s3, s0;
	s1 =	sshll.u32 s1, $0x11  }
0xbb: {  	s0 =	sor.u32 s1, s0  }
0xbc: {  	s0 =	sadd.s32 $0x8F2B, s0  }
0xbd: {  	[sflag:s0] =	ssyncadd.remote.s32 $0x1  }
0xbe: {  	_ =	sfence.sel $0xFFFF  }
0xbf: {  	[dreg:$0x0] =	wrdreg $0xFFFFFFFF;
	(pc) =	sbr.abs _section_cstart, $3  }
0xc0: {  	[dreg:$0x1] =	wrdreg $0xFFFFFFFF  }
0xc1: {  	_ =	task.clear_ibuf [dreg:s7], $0x2FFFF;
	_ =	strace $0x9FFFFFFF  }
0xc2: {  	(tm) =	ssettm $0x7FFFFFFF  }
0xc3: {  	_ =	shalt  }
tec
execute0_lowered:
.L_overlay_start_1:
0x0: {  	(tag) =	ssettag $0x1  }
0x1: {  	s0 =	srdreg.scid  }
0x2: {  	s1 =	rddreg [dreg:$0x0];
	s8 =	stileid.u32  }
0x3: {  	s4 =	rddreg [dreg:$0x1];
	s2 =	simm.s32 $0x0;
	s9 =	simm.s32 $0x5  }
0x4: {  	s10 =	simm.s32 $0x68;
	s11 =	simm.s32 $0x6400;
	s12 =	simm.s32 $0x60  }
0x5: {  	s17 =	simm.s32 $0xB000;
	s19 =	simm.s32 $0xC800;
	s21 =	simm.s32 $0xE200  }
0x6: {  	s23 =	simm.s32 $0xFA00;
	s29 =	simm.s32 $0x12C00;
	s31 =	simm.s32 $0x14600  }
0x7: {  	s16 =	simm.s32 $0x17800;
	s20 =	simm.s32 $0x19000;
	s30 =	simm.s32 $0x1C200  }
0x8: {  	s14 =	simm.s32 $0x1DC00;
	s18 =	simm.s32 $0x2;
	s22 =	simm.s32 $0x3  }
0x9: {  	s28 =	simm.s32 $0x4;
	s0 =	sand.u32 $0x1, s0;
	s3 =	sshll.u32 s8, $0x8  }
0xa: {  	[smem:$0x7FF] =	sst s2;
	s8 =	smul.u32 $0x64000, s8;
	s5 =	sshll.u32 s0, $0x7  }
0xb: {  	s7 =	ssub.s32 $0x2, s0;
	s0 =	smul.u32 $0x32000, s0;
	s3 =	sor.u32 s5, s3  }
0xc: {  	_ =	strace $0x80000047;
	s25 =	sadd.s32 s8, s4;
	s5 =	smul.u32 $0x19, s3  }
0xd: {  	s24 =	sshrl.u32 s7, $0x1;
	s6 =	smul.u32 $0x640, s3;
	s0 =	sadd.s32 s0, s25  }
0xe: {  	s3 =	sadd.s32 $0xF42E00, s1;
	s25 =	simm.s32 $0x11400;
	s0 =	sadd.s32 $0x3200, s0  }
0xf: {  	s5 =	sadd.s32 s5, s1;
	s26 =	sadd.s32 s4, s6;
	[dreg:$0x7] =	wrdreg s0  }
0x10: {  	s1 =	ssub.s32 s7, s24;
	s5 =	sadd.s32 $0xA00, s5;
	[dreg:$0x5] =	wrdreg s26  }
0x11: {  	s0 =	simm.s32 $0x15E00;
	s1 =	smax.u32 s1, $0x1;
	[dreg:$0x3] =	wrdreg s5  }
0x12: {  	s24 =	simm.s32 $0x1AA00;
	[dreg:$0x4] =	wrdreg s1;
	s1 =	sadd.s32 $0x1900, s26  }
0x13: {  	s26 =	simm.s32 $0x1;
	[dreg:$0x6] =	wrdreg s1;
	s1 =	simm.s32 $0x0  }
.LBB2_1:
0x14: {  	s4 =	rddreg [dreg:$0x3]  }
0x15: {  	[tilespmem:s2], [sflag:$0x5] =	stream.linear.gather [hbm4b:s4+s2], $0x6400, $0x38;
	[tilespmem:$0x1F400] =	vst v63  }
0x16: {  	_ =	swait.ge [sflag:s9], $0x6400  }
0x17: {  	[sflag:s9] =	ssyncset.done $0x0  }
0x18: {  	[sflag:s9] =	ssyncadd.s32 $0xFFFF9C00  }
0x19: {  	[tilespmem:s11], [sflag:$0x1] =	stream.indirect.gather [hbm4b:s3+s10], $0x40, s2, s10, $0xb8;
	[tilespmem:$0x1F400] =	vst v63  }
0x1a: {  	s5 =	simm.s32 $0x7E00  }
0x1b: {  	[tilespmem:s5], [sflag:$0x1] =	stream.indirect.gather [hbm4b:s3+s12], $0x40, s10, s12, $0xb8;
	[tilespmem:$0x1F400] =	vst v63  }
0x1c: {  	s13 =	simm.s32 $0xC8;
	s6 =	simm.s32 $0x9600  }
0x1d: {  	[tilespmem:s6], [sflag:$0x1] =	stream.indirect.gather [hbm4b:s3+s10], $0x40, s13, s10, $0xb8;
	[tilespmem:$0x1F400] =	vst v63  }
0x1e: {  	s15 =	simm.s32 $0x130  }
0x1f: {  	[tilespmem:s17], [sflag:$0x1] =	stream.indirect.gather [hbm4b:s3+s12], $0x40, s15, s12, $0xb8;
	[tilespmem:$0x1F400] =	vst v63  }
0x20: {  	s7 =	simm.s32 $0x190  }
0x21: {  	[tilespmem:s19], [sflag:$0x1] =	stream.indirect.gather [hbm4b:s3+s10], $0x40, s7, s10, $0xb8;
	[tilespmem:$0x1F400] =	vst v63  }
0x22: {  	s8 =	simm.s32 $0x1F8  }
0x23: {  	[tilespmem:s21], [sflag:$0x1] =	stream.indirect.gather [hbm4b:s3+s12], $0x40, s8, s12, $0xb8;
	[tilespmem:$0x1F400] =	vst v63  }
0x24: {  	s13 =	simm.s32 $0x258  }
0x25: {  	[tilespmem:s23], [sflag:$0x1] =	stream.indirect.gather [hbm4b:s3+s10], $0x40, s13, s10, $0xb8;
	[tilespmem:$0x1F400] =	vst v63  }
0x26: {  	s15 =	simm.s32 $0x2C0  }
0x27: {  	[tilespmem:s25], [sflag:$0x1] =	stream.indirect.gather [hbm4b:s3+s12], $0x40, s15, s12, $0xb8;
	[tilespmem:$0x1F400] =	vst v63  }
0x28: {  	_ =	swait.ge [sflag:s26], $0xC800  }
0x29: {  	[sflag:s26] =	ssyncset.done $0x0  }
0x2a: {  	s7 =	rddreg [dreg:$0x5];
	[sflag:s26] =	ssyncadd.s32 $0xFFFF3800  }
0x2b: {  	[hbm4b:s7+s2] =	stream.linear.scatter [tilespmem:s11], [sflag:$0x3], $0xC800, $0x38;
	[tilespmem:$0x1F400] =	vst v63  }
0x2c: {  	s8 =	simm.s32 $0x320  }
0x2d: {  	[tilespmem:s29], [sflag:$0x2] =	stream.indirect.gather [hbm4b:s3+s10], $0x40, s8, s10, $0xb8;
	[tilespmem:$0x1F400] =	vst v63  }
0x2e: {  	s13 =	simm.s32 $0x388  }
0x2f: {  	[tilespmem:s31], [sflag:$0x2] =	stream.indirect.gather [hbm4b:s3+s12], $0x40, s13, s12, $0xb8;
	[tilespmem:$0x1F400] =	vst v63  }
0x30: {  	s15 =	simm.s32 $0x3E8  }
0x31: {  	[tilespmem:s0], [sflag:$0x2] =	stream.indirect.gather [hbm4b:s3+s10], $0x40, s15, s10, $0xb8;
	[tilespmem:$0x1F400] =	vst v63  }
0x32: {  	s7 =	simm.s32 $0x450  }
0x33: {  	[tilespmem:s16], [sflag:$0x2] =	stream.indirect.gather [hbm4b:s3+s12], $0x40, s7, s12, $0xb8;
	[tilespmem:$0x1F400] =	vst v63  }
0x34: {  	s8 =	simm.s32 $0x4B0  }
0x35: {  	[tilespmem:s20], [sflag:$0x2] =	stream.indirect.gather [hbm4b:s3+s10], $0x40, s8, s10, $0xb8;
	[tilespmem:$0x1F400] =	vst v63  }
0x36: {  	s13 =	simm.s32 $0x518  }
0x37: {  	[tilespmem:s24], [sflag:$0x2] =	stream.indirect.gather [hbm4b:s3+s12], $0x40, s13, s12, $0xb8;
	[tilespmem:$0x1F400] =	vst v63  }
0x38: {  	s15 =	simm.s32 $0x578  }
0x39: {  	[tilespmem:s30], [sflag:$0x2] =	stream.indirect.gather [hbm4b:s3+s10], $0x40, s15, s10, $0xb8;
	[tilespmem:$0x1F400] =	vst v63  }
0x3a: {  	s7 =	simm.s32 $0x5E0  }
0x3b: {  	[tilespmem:s14], [sflag:$0x2] =	stream.indirect.gather [hbm4b:s3+s12], $0x40, s7, s12, $0xb8;
	[tilespmem:$0x1F400] =	vst v63  }
0x3c: {  	_ =	swait.ge [sflag:s18], $0xC800  }
0x3d: {  	[sflag:s18] =	ssyncset.done $0x0  }
0x3e: {  	s8 =	rddreg [dreg:$0x6];
	[sflag:s18] =	ssyncadd.s32 $0xFFFF3800  }
0x3f: {  	[hbm4b:s8+s2] =	stream.linear.scatter [tilespmem:s29], [sflag:$0x4], $0xC800, $0x38;
	[tilespmem:$0x1F400] =	vst v63  }
0x40: {  	_ =	swait.ge [sflag:s22], $0xC800  }
0x41: {  	[sflag:s22] =	ssyncset.done $0x0  }
0x42: {  	s13 =	simm.s32 $0x640;
	[sflag:s22] =	ssyncadd.s32 $0xFFFF3800  }
0x43: {  	[tilespmem:s11], [sflag:$0x1] =	stream.indirect.gather [hbm4b:s3+s10], $0x40, s13, s10, $0xb8;
	[tilespmem:$0x1F400] =	vst v63  }
0x44: {  	s15 =	simm.s32 $0x6A8  }
0x45: {  	[tilespmem:s5], [sflag:$0x1] =	stream.indirect.gather [hbm4b:s3+s12], $0x40, s15, s12, $0xb8;
	[tilespmem:$0x1F400] =	vst v63  }
0x46: {  	s5 =	simm.s32 $0x708  }
0x47: {  	[tilespmem:s6], [sflag:$0x1] =	stream.indirect.gather [hbm4b:s3+s10], $0x40, s5, s10, $0xb8;
	[tilespmem:$0x1F400] =	vst v63  }
0x48: {  	s6 =	simm.s32 $0x770  }
0x49: {  	[tilespmem:s17], [sflag:$0x1] =	stream.indirect.gather [hbm4b:s3+s12], $0x40, s6, s12, $0xb8;
	[tilespmem:$0x1F400] =	vst v63  }
0x4a: {  	s7 =	simm.s32 $0x7D0  }
0x4b: {  	[tilespmem:s19], [sflag:$0x1] =	stream.indirect.gather [hbm4b:s3+s10], $0x40, s7, s10, $0xb8;
	[tilespmem:$0x1F400] =	vst v63  }
0x4c: {  	s8 =	simm.s32 $0x838  }
0x4d: {  	[tilespmem:s21], [sflag:$0x1] =	stream.indirect.gather [hbm4b:s3+s12], $0x40, s8, s12, $0xb8;
	[tilespmem:$0x1F400] =	vst v63  }
0x4e: {  	s13 =	simm.s32 $0x898  }
0x4f: {  	[tilespmem:s23], [sflag:$0x1] =	stream.indirect.gather [hbm4b:s3+s10], $0x40, s13, s10, $0xb8;
	[tilespmem:$0x1F400] =	vst v63  }
0x50: {  	s15 =	simm.s32 $0x900;
	s5 =	simm.s32 $0x0;
	s8 =	rddreg [dreg:$0x7]  }
0x51: {  	[tilespmem:s25], [sflag:$0x1] =	stream.indirect.gather [hbm4b:s3+s12], $0x40, s15, s12, $0xb8;
	[tilespmem:$0x1F400] =	vst v63  }
.LBB2_2:
0x52: {  	_ =	swait.ge [sflag:s26], $0xC800  }
0x53: {  	[sflag:s26] =	ssyncset.done $0x0  }
0x54: {  	[sflag:s26] =	ssyncadd.s32 $0xFFFF3800  }
0x55: {  	[hbm4b:s8+s2] =	stream.linear.scatter [tilespmem:s11], [sflag:$0x3], $0xC800, $0x38;
	[tilespmem:$0x1F400] =	vst v63  }
0x56: {  	_ =	swait.ge [sflag:s28], $0xC800  }
0x57: {  	s7 =	sshra.s32 s5, $0x2;
	[sflag:s28] =	ssyncset.done $0x0  }
0x58: {  	s4 =	sadd.s32 $0x960, s7;
	[sflag:s28] =	ssyncadd.s32 $0xFFFF3800  }
0x59: {  	[tilespmem:s29], [sflag:$0x2] =	stream.indirect.gather [hbm4b:s3+s10], $0x40, s4, s10, $0xb8;
	[tilespmem:$0x1F400] =	vst v63  }
0x5a: {  	s13 =	sadd.s32 $0x9C8, s7  }
0x5b: {  	[tilespmem:s31], [sflag:$0x2] =	stream.indirect.gather [hbm4b:s3+s12], $0x40, s13, s12, $0xb8;
	[tilespmem:$0x1F400] =	vst v63  }
0x5c: {  	s15 =	sadd.s32 $0xA28, s7  }
0x5d: {  	[tilespmem:s0], [sflag:$0x2] =	stream.indirect.gather [hbm4b:s3+s10], $0x40, s15, s10, $0xb8;
	[tilespmem:$0x1F400] =	vst v63  }
0x5e: {  	s6 =	sadd.s32 $0xA90, s7  }
0x5f: {  	[tilespmem:s16], [sflag:$0x2] =	stream.indirect.gather [hbm4b:s3+s12], $0x40, s6, s12, $0xb8;
	[tilespmem:$0x1F400] =	vst v63  }
0x60: {  	s13 =	sadd.s32 $0xAF0, s7  }
0x61: {  	[tilespmem:s20], [sflag:$0x2] =	stream.indirect.gather [hbm4b:s3+s10], $0x40, s13, s10, $0xb8;
	[tilespmem:$0x1F400] =	vst v63  }
0x62: {  	s15 =	sadd.s32 $0xB58, s7  }
0x63: {  	[tilespmem:s24], [sflag:$0x2] =	stream.indirect.gather [hbm4b:s3+s12], $0x40, s15, s12, $0xb8;
	[tilespmem:$0x1F400] =	vst v63  }
0x64: {  	s6 =	sadd.s32 $0xBB8, s7  }
0x65: {  	[tilespmem:s30], [sflag:$0x2] =	stream.indirect.gather [hbm4b:s3+s10], $0x40, s6, s10, $0xb8;
	[tilespmem:$0x1F400] =	vst v63  }
0x66: {  	s13 =	sadd.s32 $0xC20, s7  }
0x67: {  	[tilespmem:s14], [sflag:$0x2] =	stream.indirect.gather [hbm4b:s3+s12], $0x40, s13, s12, $0xb8;
	[tilespmem:$0x1F400] =	vst v63  }
0x68: {  	_ =	swait.ge [sflag:s18], $0xC800  }
0x69: {  	[sflag:s18] =	ssyncset.done $0x0  }
0x6a: {  	p0 =	seq.s32 s5, $0x15E00;
	s15 =	sadd.s32 $0x1900, s8;
	[sflag:s18] =	ssyncadd.s32 $0xFFFF3800  }
0x6b: {  	[hbm4b:s15+s2] =	stream.linear.scatter [tilespmem:s29], [sflag:$0x4], $0xC800, $0x38;
	[tilespmem:$0x1F400] =	vst v63  }
0x6c: {  	s4 =	sshra.s32 @!p0 s5, $0x2;
	_ =	swait.ge [sflag:s22], $0xC800  }
0x6d: {  	s7 =	sadd.s32 @!p0 $0xC80, s4;
	[sflag:s22] =	ssyncset.done $0x0  }
0x6e: {  	s6 =	simm.s32 @!p0 $0x6400;
	s13 =	simm.s32 @!p0 $0x68;
	[sflag:s22] =	ssyncadd.s32 $0xFFFF3800  }
0x6f: {  	[tilespmem:s6], [sflag:$0x1] =	stream.indirect.gather @!p0 [hbm4b:s3+s13], $0x40, s7, s13, $0xb8;
	[tilespmem:$0x1F400] =	vst v63  }
0x70: {  	s15 =	simm.s32 @!p0 $0x7E00;
	s6 =	sadd.s32 @!p0 $0xCE8, s4;
	s7 =	simm.s32 @!p0 $0x60  }
0x71: {  	[tilespmem:s15], [sflag:$0x1] =	stream.indirect.gather @!p0 [hbm4b:s3+s7], $0x40, s6, s7, $0xb8;
	[tilespmem:$0x1F400] =	vst v63  }
0x72: {  	s6 =	sadd.s32 @!p0 $0xD48, s4;
	s15 =	simm.s32 @!p0 $0x9600  }
0x73: {  	[tilespmem:s15], [sflag:$0x1] =	stream.indirect.gather @!p0 [hbm4b:s3+s13], $0x40, s6, s13, $0xb8;
	[tilespmem:$0x1F400] =	vst v63  }
0x74: {  	s5 =	sadd.s32 @!p0 $0x1900, s5;
	s6 =	sadd.s32 @!p0 $0xDB0, s4;
	s15 =	simm.s32 @!p0 $0xB000  }
0x75: {  	[tilespmem:s15], [sflag:$0x1] =	stream.indirect.gather @!p0 [hbm4b:s3+s7], $0x40, s6, s7, $0xb8;
	[tilespmem:$0x1F400] =	vst v63  }
0x76: {  	p1 =	sne.s32 @!p0 s5, $0x17700;
	s6 =	sadd.s32 @!p0 $0xE10, s4;
	s15 =	simm.s32 @!p0 $0xC800  }
0x77: {  	[tilespmem:s15], [sflag:$0x1] =	stream.indirect.gather @!p0 [hbm4b:s3+s13], $0x40, s6, s13, $0xb8;
	[tilespmem:$0x1F400] =	vst v63  }
0x78: {  	p1 =	por p0, !p1;
	s6 =	sadd.s32 @!p0 $0xE78, s4;
	s15 =	simm.s32 @!p0 $0xE200  }
0x79: {  	[tilespmem:s15], [sflag:$0x1] =	stream.indirect.gather @!p0 [hbm4b:s3+s7], $0x40, s6, s7, $0xb8;
	[tilespmem:$0x1F400] =	vst v63  }
.Ltmp0:
0x7a: {  	_ = 	snop;
	(pc) =	sbr.rel @!p1 .LBB2_2-.Ltmp0, $4  }
0x7b: {  	s6 =	sadd.s32 @!p0 $0xED8, s4;
	s15 =	simm.s32 @!p0 $0xFA00  }
0x7c: {  	[tilespmem:s15], [sflag:$0x1] =	stream.indirect.gather @!p0 [hbm4b:s3+s13], $0x40, s6, s13, $0xb8;
	[tilespmem:$0x1F400] =	vst v63  }
0x7d: {  	s8 =	sadd.s32 @!p0 $0x3200, s8;
	s4 =	sadd.s32 @!p0 $0xF40, s4;
	s6 =	simm.s32 @!p0 $0x11400  }
0x7e: {  	[tilespmem:s6], [sflag:$0x1] =	stream.indirect.gather @!p0 [hbm4b:s3+s7], $0x40, s4, s7, $0xb8;
	[tilespmem:$0x1F400] =	vst v63  }
0x7f: {  	_ =	swait.ge [sflag:s28], $0xC800  }
0x80: {  	s1 =	sadd.s32 $0x1, s1;
	s4 =	rddreg [dreg:$0x4]  }
0x81: {  	p0 =	sne.s32 s1, s4  }
.Ltmp1:
0x82: {  	_ = 	snop;
	(pc) =	sbr.rel @p0 .LBB2_1-.Ltmp1, $3  }
0x83: {  	_ =	sdelay $0x1  }
0x84: {  	[sflag:s28] =	ssyncset.done $0x0  }
0x85: {  	[sflag:s28] =	ssyncadd.s32 $0xFFFF3800  }
0x86: {  	_ =	sfence.sel $0x180000  }
0x87: {  	[bflag:$0x0] =	sbarrier.arrive $0xFFFF  }
0x88: {  	_ =	strace $0x90000047  }
0x89: {  	s0 =	stileid.u32;
	[bflag:$0x2] =	sbarrier.arrive $0xFFFF  }
0x8a: {  	p0 =	sne.s32 s0, $0x0;
	s0 =	rddreg [dreg:$0x2]  }
0x8b: {  	s0 =	sadd.s32 @!p0 $0x100000, s0  }
0x8c: {  	[sflag:s0] =	ssyncadd.tile.s32 @!p0 $0x1;
	_ =	shalt  }
.Lfunc_end2:
_tile_overlayer_lowered:
.L_overlay_start_2:
0x8d: {  	(tag) =	ssettag $0x2  }
0x8e: {  	s0 =	rddreg [dreg:$0x0];
	s2 =	stileid.u32  }
0x8f: {  	s1 =	rddreg [dreg:$0x1];
	p0 =	sne.s32 s2, $0x0  }
0x90: {  	s3 =	rddreg [dreg:$0x2];
	[bflag:$0x3] =	sbarrier.arrive $0xFFFF;
	s2 =	simm.s32 @!p0 $0x1C05  }
0x91: {  	[timem:s3], [sflag:s2] =	dma.local @!p0 [hbm:s0], s1  }
0x92: {  	s0 =	simm.s32 @!p0 $0x5  }
0x93: {  	_ =	swait.ge @!p0 [sflag:s0], s1  }
0x94: {  	s1 =	ssub.s32 @!p0 $0x0, s1;
	[sflag:s0] =	ssyncset.done @!p0 $0x0  }
0x95: {  	[sflag:s0] =	ssyncadd.s32 @!p0 s1  }
0x96: {  	[bflag:$0x3] =	sbarrier.arrive $0xFFFF  }
0x97: {  	_ =	shalt  }

// kernel: sparse-core-data-format-call.cloned.1.call-start
scs
called_computation_lowered:
.L_overlay_start_0:
0x0: {  	s2 =	sld [smem:$0x3FD9]  }
0x1: {  	s3 =	sld [smem:$0x3FFE];
	_ =	sdelay $0x1  }
0x2: {  	s1 =	srdreg.scid  }
0x3: {  	s0 =	sand.u32 $0x1, s1  }
0x4: {  	s18 =	sshll.u32 s0, $0xA;
	s2 =	sadd.s32 s3, s2  }
0x5: {  	s2 =	sadd.s32 s2, s18  }
0x6: {  	[smem:$0x3FC6] =	sst s2  }
0x7: {  	_ = 	snop  }
0x8: {  	s2 =	sld [smem:$0x3FD0];
	(tm) =	ssettm $0x1  }
0x9: {  	s19 =	sld [smem:$0x3FFB];
	_ =	sdelay $0x3  }
0xa: {  	_ =	strace s19  }
0xb: {  	s3 =	sld [smem:$0x3FFC];
	_ =	sdelay $0x3  }
0xc: {  	_ =	strace s3  }
0xd: {  	s3 =	sld [smem:$0x3FFD];
	_ =	sdelay $0x3  }
0xe: {  	_ =	strace s3  }
0xf: {  	_ =	strace $0x8FFFFFFF  }
0x10: {  	s20 =	sld [smem:$0x3FDB];
	_ =	sdelay $0x1  }
0x11: {  	s4 =	simm.s32 $_scs_section_size  }
0x12: {  	s5 =	simm.s32 $_size__tile_overlayer_lowered;
	s6 =	simm.s32 $_tile_overlayer_lowered  }
0x13: {  	s23 =	simm.s32 $0x1BFF;
	s22 =	sshll.u32 s6, $0x1;
	s3 =	sadd.s32 s4, s20  }
0x14: {  	s7 =	simm.s32 $0x0;
	s21 =	sshll.u32 s5, $0x1;
	s5 =	sadd.s32 s22, s3  }
0x15: {  	[timem:s7], [sflag:s23] =	dma.local [hbm:s5], s21  }
0x16: {  	_ =	swait.ge [sflag:s23], s21  }
0x17: {  	s4 =	ssub.s32 $0x0, s21;
	[sflag:s23] =	ssyncset.done $0x0  }
0x18: {  	[sflag:s23] =	ssyncadd.s32 s4;
	_ =	sdelay $0x1  }
0x19: {  	s24 =	simm.s32 $0x1B8B  }
0x1a: {  	_ =	swait.ge [sflag:s24], $0x1  }
0x1b: {  	[sflag:s24] =	ssyncset.done $0x0  }
0x1c: {  	s26 =	simm.s32 $0x1B8E;
	s25 =	sld [smem:$0x3FFE];
	[sflag:s24] =	ssyncadd.s32 $0xFFFFFFFF  }
0x1d: {  	s27 =	simm.s32 $execute0_lowered;
	[smem:$0x3FD2] =	sst s26  }
0x1e: {  	s5 =	sshll.u32 s27, $0x1;
	_ =	strace $0x80000049;
	[dreg:$0x1] =	wrdreg $0xFFFFFFFF  }
0x1f: {  	s28 =	simm.s32 $_size_execute0_lowered;
	s3 =	sadd.s32 s3, s5;
	[dreg:$0x0] =	wrdreg $0x0  }
0x20: {  	s5 =	sshll.u32 s28, $0x1;
	[dreg:$0x2] =	wrdreg s3  }
0x21: {  	[dreg:$0x3] =	wrdreg s5  }
0x22: {  	[dreg:$0x4] =	wrdreg $0xC0  }
0x23: {  	_ =	task [dreg:s7], $0x5FFFF  }
0x24: {  	[dreg:$0x1] =	wrdreg $0xFFFFFFFF  }
0x25: {  	[dreg:$0x0] =	wrdreg $0x60  }
0x26: {  	[dreg:$0x2] =	wrdreg s25  }
0x27: {  	[dreg:$0x3] =	wrdreg s2  }
0x28: {  	[dreg:$0x4] =	wrdreg $0x9  }
0x29: {  	_ =	task.clear_ibuf [dreg:s7], $0x5FFFF;
	_ =	strace $0x90000049  }
0x2a: {  	s29 =	simm.s32 $0x9;
	_ =	strace $0x8000004B  }
0x2b: {  	_ =	swait.ge [sflag:s29], $0x1  }
0x2c: {  	[sflag:s29] =	ssyncadd.s32 $0xFFFFFFFF  }
0x2d: {  	_ =	strace $0x9000004B  }
0x2e: {  	_ =	sfence  }
0x2f: {  	s30 =	sld [smem:$0x0];
	_ =	sdelay $0x2  }
0x30: {  	s31 =	sshll.u32 s1, $0xD;
	s1 =	sshrl.u32 s1, $0x2  }
0x31: {  	s3 =	sand.u32 $0x4000, s31;
	s1 =	sadd.s32 s1, s30  }
0x32: {  	s0 =	sor.u32 s3, s0;
	s1 =	sshll.u32 s1, $0x11  }
0x33: {  	s0 =	sor.u32 s1, s0  }
0x34: {  	s0 =	sadd.s32 $0x8F2B, s0  }
0x35: {  	[sflag:s0] =	ssyncadd.remote.s32 $0x1  }
0x36: {  	_ =	sfence.sel $0xFFFF  }
0x37: {  	[dreg:$0x0] =	wrdreg $0xFFFFFFFF;
	(pc) =	sbr.abs _section_cstart, $3  }
0x38: {  	[dreg:$0x1] =	wrdreg $0xFFFFFFFF  }
0x39: {  	_ =	task.clear_ibuf [dreg:s7], $0x2FFFF;
	_ =	strace $0x9FFFFFFF  }
0x3a: {  	(tm) =	ssettm $0x7FFFFFFF  }
0x3b: {  	_ =	shalt  }
tec
execute0_lowered:
.L_overlay_start_1:
0x0: {  	(tag) =	ssettag $0x1  }
0x1: {  	s0 =	srdreg.scid  }
0x2: {  	s1 =	sshll.u32 s0, $0x4  }
0x3: {  	s0 =	stileid.u32;
	s1 =	sand.u32 $0x10, s1  }
0x4: {  	s1 =	sor.u32 s0, s1  }
0x5: {  	s6 =	rddreg [dreg:$0x0];
	s4 =	simm.s32 $0x1;
	s2 =	sshll.u32 s1, $0x7  }
0x6: {  	s7 =	simm.s32 $0x2;
	s12 =	simm.s32 $0x0;
	s1 =	ssub.s32 $0x1000, s2  }
0x7: {  	s8 =	simm.s32 $0x8000;
	s13 =	simm.s32 $0x0;
	s3 =	sand.u32 $0xF80, s1  }
0x8: {  	s9 =	simm.s32 $0x0;
	s5 =	sshrl.u32 s1, $0xC;
	p0 =	sne.s32 s3, $0x0  }
.Ltmp0:
0x9: {  	s1 =	rddreg [dreg:$0x2];
	s4 =	simm.s32 @!p0 $0x0;
	(pc) =	sbr.rel .LBB1_1-.Ltmp0, $4  }
0xa: {  	s11 =	simm.s32 $0x0;
	s3 =	rddreg [dreg:$0x1];
	s5 =	sadd.s32 s4, s5  }
0xb: {  	_ =	strace $0x8000004A;
	s4 =	simm.s32 $0x1;
	s5 =	smul.u32 $0xC8, s5  }
0xc: {  	s6 =	sadd.s32 $0xA00, s6;
	s10 =	smov.u32 s2;
	[sflag:s4] =	ssyncpa.u1 $0x0  }
0xd: {  	p0 =	por $0x0, $0x0;
	[sflag:s7] =	ssyncpa.u1 $0x0;
	s7 =	sor.u32 $0x1, s5  }
.LBB1_4:
0xe: {  	s16 =	sshll.u32 s13, $0x3;
	s17 =	sand.u32 $0x78, s13  }
0xf: {  	s30 =	sand.u32 $0x7E00, s13;
	s12 =	sshll.u32 s12, $0xF;
	s16 =	sand.u32 $0xC00, s16  }
0x10: {  	[tilespmem:s15+$0x810 ss:$0x81] =	vst.msk $0xffff, v2;
	s31 =	sand.u32 $0x7, s13;
	s16 =	sor.u32 s17, s16;
	s17 =	sadd.s32 s3, s30  }
0x11: {  	[tilespmem:s15+$0x1020 ss:$0x81] =	vst.msk $0xffff, v0;
	s13 =	sshll.u32 s31, $0x12;
	s12 =	sadd.s32 s12, s17;
	s16 =	sshrl.u32 s16, $0x3  }
0x12: {  	[tilespmem:s15+$0x0 ss:$0x81] =	vst.msk $0xffff, v1;
	s13 =	sor.u32 $0x400, s13;
	s12 =	sadd.s32 s16, s12  }
0x13: {  	[hbm4b:s12+s13] =	stream.strided.scatter [tilespmem:s14], [sflag:$0x2], $0x2000, s8, s13, $0x20;
	[tilespmem:$0x8080] =	vst v63  }
.LBB1_5:
0x14: {  	s14 =	sadd.s32 $0x1, s9  }
0x15: {  	s12 =	sadd.s32 $0x1000, s10;
	s16 =	smov.u32 s10;
	p2 =	sgt.s32 s14, $0xC7  }
0x16: {  	s16 =	smov.u32 @p2 s12  }
0x17: {  	s14 =	simm.s32 @p2 $0x0;
	p2 =	sgt.s32 s16, $0xFFF  }
0x18: {  	s16 =	smov.u32 @p2 s2;
	p2 =	sne.s32 s11, s7  }
.Ltmp1:
0x19: {  	p1 =	slt.u32 s11, $0x2;
	(pc) =	sbr.rel @!p2 .LBB1_6-.Ltmp1, $4  }
0x1a: {  	s15 =	simm.s32 @!p1 $0x2  }
0x1b: {  	s13 =	smov.u32 s10;
	p0 =	por !p0, !p0;
	_ =	swait.ge @!p1 [sflag:s15], $0x2000  }
0x1c: {  	s12 =	smov.u32 s9;
	[sflag:s15] =	ssyncset.done @!p1 $0x0;
	s9 =	smov.u32 s14  }
0x1d: {  	s11 =	sadd.s32 $0x1, s11;
	[sflag:s15] =	ssyncadd.s32 @!p1 $0xFFFFE000;
	s10 =	smov.u32 s16  }
.LBB1_1:
0x1e: {  	p1 =	sge.u32 s11, s5  }
0x1f: {  	s14 =	sand.u32 @!p1 $0x1FFFFFF, s9  }
0x20: {  	s15 =	smulhi.u32 @!p1 $0x147AE15, s14;
	_ =	sdelay $0x1  }
0x21: {  	s15 =	smul.u32 @!p1 $0xC8, s15  }
0x22: {  	s16 =	sxor.u32 @!p1 $0xFFFFFFFF, s11;
	s17 =	smul.u32 @!p1 $0xC80, s10  }
0x23: {  	s31 =	sadd.s32 $0xFFFFFFFF, s11;
	s16 =	sshll.u32 @!p1 s16, $0xD;
	s14 =	ssub.s32 @!p1 s14, s15  }
0x24: {  	s15 =	sand.u32 @!p1 $0x2000, s16;
	s16 =	sadd.s32 @!p1 s6, s17;
	s14 =	sshll.u32 @!p1 s14, $0x4  }
0x25: {  	s17 =	simm.s32 @!p1 $0x6400;
	s14 =	sadd.s32 @!p1 s14, s16;
	s16 =	simm.s32 @!p1 $0x40  }
0x26: {  	[tilespmem:s15], [sflag:$0x1] =	stream.strided.gather @!p1 [hbm4b:s14+s16], $0x2000, s17, s16, $0x38;
	[tilespmem:$0x8080] =	vst v63  }
0x27: {  	p1 =	sge.u32 s31, s5  }
.Ltmp2:
0x28: {  	_ = 	snop;
	(pc) =	sbr.rel @p1 .LBB1_5-.Ltmp2, $1  }
0x29: {  	_ =	sdelay $0x3  }
0x2a: {  	s14 =	simm.s32 $0x1  }
0x2b: {  	_ =	swait.ge [sflag:s4], $0x2000;
	s14 =	simm.s32 @!p0 $0x0  }
0x2c: {  	[sflag:s4] =	ssyncset.done $0x0;
	s15 =	sshll.u32 s14, $0xD  }
0x2d: {  	[sflag:s4] =	ssyncadd.s32 $0xFFFFE000;
	s18 =	sor.u32 $0x20, s15  }
0x2e: {  	s14 =	smul.u32 $0x8100, s14;
	v3 =	vld [tilespmem:s18+$0x10]  }
0x2f: {  	s30 =	sand.u32 $0x1, s11;
	v2 =	vld [tilespmem:s18+$0xFFFFFFF0]  }
0x30: {  	s15 =	smul.u32 $0x8100, s30;
	s14 =	sshrl.u32 s14, $0x2;
	v0 =	vld [tilespmem:s18+$0x0]  }
0x31: {  	v1 =	vld [tilespmem:s18+$0xFFFFFFE0];
	s16 =	sor.u32 $0x4000, s14  }
0x32: {  	s31 =	sshrl.u32 s15, $0x2;
	s15 =	sadd.s32 $0x0, s16  }
0x33: {  	s17 =	simm.s32 $0x4;
	s18 =	sadd.s32 $0x40, s18;
	s14 =	sor.u32 $0x4000, s31;
	[tilespmem:s15+$0x1830 ss:$0x81] =	vst.msk $0xffff, v3  }
.LBB1_3:
0x34: {  	v3 =	vld [tilespmem:s18+$0x10];
	p1 =	sne.s32 s17, $0x1FC;
	[tilespmem:s15+$0x810 ss:$0x81] =	vst.msk $0xffff, v2;
	s19 =	smov.u32 s17;
	s17 =	sadd.s32 $0x4, s17  }
.Ltmp3:
0x35: {  	v2 =	vld [tilespmem:s18+$0xFFFFFFF0];
	[tilespmem:s15+$0x1020 ss:$0x81] =	vst.msk $0xffff, v0;
	(pc) =	sbr.rel @p1 .LBB1_3-.Ltmp3, $4  }
0x36: {  	v0 =	vld [tilespmem:s18+$0x0];
	[tilespmem:s15+$0x0 ss:$0x81] =	vst.msk $0xffff, v1  }
0x37: {  	s15 =	sshra.s32 s19, $0x2;
	v1 =	vld [tilespmem:s18+$0xFFFFFFE0]  }
0x38: {  	s15 =	sadd.s32 s15, s16  }
0x39: {  	s18 =	sadd.s32 $0x40, s18;
	[tilespmem:s15+$0x1830 ss:$0x81] =	vst.msk $0xffff, v3  }
.Ltmp4:
0x3a: {  	_ = 	snop;
	(pc) =	sbr.rel .LBB1_4-.Ltmp4, $1  }
0x3b: {  	_ =	sdelay $0x3  }
.LBB1_6:
0x3c: {  	_ =	sfence.sel $0x180000  }
0x3d: {  	s2 =	simm.s32 $0x1;
	[bflag:$0x0] =	sbarrier.arrive $0xFFFF  }
0x3e: {  	s31 =	simm.s32 $0x2;
	[sflag:s2] =	ssyncpa.u1 $0x1  }
0x3f: {  	[sflag:s31] =	ssyncpa.u1 $0x1  }
0x40: {  	p0 =	sne.s32 s0, $0x0;
	_ =	strace $0x9000004A  }
0x41: {  	s0 =	sadd.s32 @!p0 $0x100000, s1;
	[bflag:$0x2] =	sbarrier.arrive $0xFFFF  }
0x42: {  	[sflag:s0] =	ssyncadd.tile.s32 @!p0 $0x1;
	_ =	shalt  }
.Lfunc_end1:
_tile_overlayer_lowered:
.L_overlay_start_2:
0x43: {  	(tag) =	ssettag $0x2  }
0x44: {  	s0 =	rddreg [dreg:$0x0];
	s2 =	stileid.u32  }
0x45: {  	s1 =	rddreg [dreg:$0x1];
	p0 =	sne.s32 s2, $0x0  }
0x46: {  	s3 =	rddreg [dreg:$0x2];
	[bflag:$0x3] =	sbarrier.arrive $0xFFFF;
	s2 =	simm.s32 @!p0 $0x1C01  }
0x47: {  	[timem:s3], [sflag:s2] =	dma.local @!p0 [hbm:s0], s1  }
0x48: {  	s0 =	simm.s32 @!p0 $0x1  }
0x49: {  	_ =	swait.ge @!p0 [sflag:s0], s1  }
0x4a: {  	s1 =	ssub.s32 @!p0 $0x0, s1;
	[sflag:s0] =	ssyncset.done @!p0 $0x0  }
0x4b: {  	[sflag:s0] =	ssyncadd.s32 @!p0 s1  }
0x4c: {  	[bflag:$0x3] =	sbarrier.arrive $0xFFFF  }
0x4d: {  	_ =	shalt  }

</sc_bundles>
